<compile_context>
chip_gen: v7x
topology: tpu7x:2x2x1
jax: 0.10.2.dev20260603
libtpu: 0.0.44.dev20260713+nightly
codegen_flags: <defaults>
</compile_context>

<pallas_src>
import functools

import jax
import jax.numpy as jnp
from jax import lax
from jax.experimental import pallas as pl
from jax.experimental.pallas import tpu as pltpu
from jax.experimental.pallas import tpu_sc as plsc

NUM_ENT = 72000
KSEG = 70108
NUM_REL = 14
N_SUB = 70108
E = 400000
BQ = 4096
NH = 4
FH = 50
D = 200

DP = 208
DG = 256
N_PAD = 70656
E_PAD = 400384
NE_PAD = 72192
BLK = 512

_f32 = jnp.float32



def _sc_mesh():
    return plsc.VectorSubcoreMesh(core_axis_name="c", subcore_axis_name="s",
                                  num_cores=2, num_subcores=16)


@functools.partial(jax.jit, static_argnames=("dp", "rb", "tiled"))
def _sc_gather(table, idx, dp, rb, tiled=False):
    m_tot = idx.shape[0]
    r_pw = m_tot // 32
    nf, rem = divmod(r_pw, rb)

    @functools.partial(
        pl.kernel,
        mesh=_sc_mesh(),
        out_type=jax.ShapeDtypeStruct((m_tot, dp), _f32),
        compiler_params=pltpu.CompilerParams(use_tc_tiling_on_sc=tiled),
        scratch_types=[
            pltpu.VMEM((rb,), jnp.int32),
            pltpu.VMEM((rb, dp), _f32),
            pltpu.SemaphoreType.DMA,
        ],
    )
    def k(table_hbm, idx_hbm, out_hbm, idx_v, rows_v, sem):
        wid = lax.axis_index("s") * 2 + lax.axis_index("c")
        base0 = wid * r_pw

        def do(base, nb):
            pltpu.sync_copy(idx_hbm.at[pl.ds(base, nb)], idx_v.at[pl.ds(0, nb)])
            pltpu.async_copy(
                table_hbm.at[idx_v.at[pl.ds(0, nb)]],
                rows_v.at[pl.ds(0, nb)], sem).wait()
            pltpu.sync_copy(rows_v.at[pl.ds(0, nb)], out_hbm.at[pl.ds(base, nb)])

        if nf:
            def body(j, _):
                do(base0 + j * rb, rb)
                return 0
            lax.fori_loop(0, nf, body, 0)
        if rem:
            do(base0 + nf * rb, rem)

    return k(table, idx)


T2 = 35328
TRASH = 128


@functools.partial(jax.jit, static_argnames=("t2", "dp", "eb"))
def _sc_scatter_add(vals, idx2, t2, dp, eb):
    m_tot = idx2.shape[0] // 2
    nchunk = dp // 16
    half = (nchunk + 1) // 2
    r_ps = m_tot // 16
    nf, rem = divmod(r_ps, eb)
    tz = t2 // 16
    tzz = (t2 + TRASH) // 16
    zb = min(tzz, 1024)
    znf, zrem = divmod(tzz, zb)

    npair = nf // 2

    @functools.partial(
        pl.kernel,
        mesh=_sc_mesh(),
        out_type=jax.ShapeDtypeStruct((2 * t2, dp), _f32),
        compiler_params=pltpu.CompilerParams(use_tc_tiling_on_sc=False),
        scratch_types=[
            pltpu.VMEM((r_ps,), jnp.int32),
            pltpu.VMEM((eb, 16), _f32),
            pltpu.VMEM((zb, 16), _f32),
            pltpu.VMEM_SHARED((t2 + TRASH, 16), _f32),
        ],
    )
    def k(vals_hbm, idx_hbm, out_hbm, idx_all, val_a, zero_v, acc_sh):
        cid = lax.axis_index("c")
        sid = lax.axis_index("s")
        base0 = sid * r_ps

        def zv(i, _):
            zero_v[i] = jnp.zeros((16,), _f32)
            return 0
        lax.fori_loop(0, zb, zv, 0)

        for hh in range(2):
            pltpu.sync_copy(idx_hbm.at[pl.ds(hh * m_tot + base0, r_ps)],
                            idx_all)
            for j in range(half):
                fc = cid * half + j

                @pl.when(fc < nchunk)
                def _():
                    def zslice(base, nb):
                        pltpu.sync_copy(zero_v.at[pl.ds(0, nb)],
                                        acc_sh.at[pl.ds(base, nb)])
                    row0 = sid * tzz
                    if znf:
                        def zbody(t, _):
                            zslice(row0 + t * zb, zb)
                            return 0
                        lax.fori_loop(0, znf, zbody, 0)
                    if zrem:
                        zslice(row0 + znf * zb, zrem)

                plsc.subcore_barrier()

                @pl.when(fc < nchunk)
                def _():
                    col = fc * 16

                    def scat(t, nb):
                        pltpu.sync_copy(
                            vals_hbm.at[pl.ds(base0 + t * eb, nb),
                                        pl.ds(col, 16)],
                            val_a.at[pl.ds(0, nb)])
                        pltpu.sync_copy(
                            val_a.at[pl.ds(0, nb)],
                            acc_sh.at[idx_all.at[pl.ds(t * eb, nb)]],
                            add=True)

                    if nf:
                        def body(t, _):
                            scat(t, eb)
                            return 0
                        lax.fori_loop(0, nf, body, 0)
                    if rem:
                        scat(nf, rem)

                plsc.subcore_barrier()

                @pl.when(fc < nchunk)
                def _():
                    col = fc * 16
                    row0 = sid * tz
                    pltpu.sync_copy(
                        acc_sh.at[pl.ds(row0, tz)],
                        out_hbm.at[pl.ds(hh * t2 + row0, tz), pl.ds(col, 16)])

                plsc.subcore_barrier()

    return k(vals, idx2)



def _rows_pc(body, nrows, out_shapes, ins, in_widths):
    grid = (nrows // BLK,)
    in_specs = []
    for a, w in zip(ins, in_widths):
        if w is None:
            nd = a.ndim
            in_specs.append(pl.BlockSpec(a.shape, lambda i, _n=nd: (0,) * _n))
        else:
            in_specs.append(pl.BlockSpec((BLK, w), lambda i: (i, 0)))
    out_specs = [pl.BlockSpec((BLK, s.shape[1]), lambda i: (i, 0))
                 for s in out_shapes]
    if len(out_shapes) == 1:
        out_specs = out_specs[0]
        out_shape = out_shapes[0]
    else:
        out_shape = out_shapes
    return pl.pallas_call(
        body, grid=grid, in_specs=in_specs, out_specs=out_specs,
        out_shape=out_shape)(*ins)


def _k_proj(x_ref, w_ref, as_ref, ad_ref, p_ref, st_ref):
    x = x_ref[...]
    proj = jnp.dot(x, w_ref[...], preferred_element_type=_f32)
    ss = jnp.dot(proj, as_ref[...], preferred_element_type=_f32)
    p_ref[...] = jnp.concatenate(
        [proj, ss, jnp.zeros((BLK, 32), _f32)], axis=1)
    st_ref[...] = jnp.dot(proj, ad_ref[...], preferred_element_type=_f32)


def _k_scale(nrows_valid, g_ref, stdst_ref, eh_ref, sv_ref):
    i = pl.program_id(0)
    g = g_ref[...]
    s = g[:, DP:DP + 16] + stdst_ref[...]
    ex = jnp.exp(jnp.maximum(s, 0.2 * s))
    rows = i * BLK + lax.broadcasted_iota(jnp.int32, (BLK, 1), 0)
    lanes = lax.broadcasted_iota(jnp.int32, (BLK, 16), 1)
    ex = jnp.where((rows < nrows_valid) & (lanes < NH), ex, 0.0)
    scaled = g[:, :DP] * jnp.dot(ex, eh_ref[...], preferred_element_type=_f32)
    sv_ref[...] = jnp.concatenate([scaled, ex], axis=1)


def _k_epi(is_last, nrows_valid, acc_ref, x_ref, b_ref, eh_ref, *o_refs):
    acc = acc_ref[...]
    d = jnp.dot(acc[:, DP:], eh_ref[...], preferred_element_type=_f32)
    out = acc[:, :DP] / (d + 1e-16) + x_ref[..., :DP] + b_ref[...]
    if not is_last:
        o_refs[0][...] = jnp.where(
            out > 0, out, jnp.exp(jnp.minimum(out, 0.0)) - 1.0)
    else:
        i = pl.program_id(0)
        rows = i * BLK + lax.broadcasted_iota(jnp.int32, (BLK, 1), 0)
        cols = lax.broadcasted_iota(jnp.int32, (BLK, DP), 1)
        out = jnp.where(cols == D, 1.0, out)
        out = jnp.where(rows < nrows_valid, out, 0.0)
        o_refs[0][...] = out
        o_refs[1][...] = jnp.concatenate(
            [out, jnp.zeros((BLK, 48), _f32)], axis=1)


def _k_idx2(i_ref, lo_ref, hi_ref):
    ix = i_ref[...]
    tr = T2 + (ix & (TRASH - 1))
    lo_ref[...] = jnp.where(ix < T2, ix, tr)
    hi_ref[...] = jnp.where(ix >= T2, ix - T2, tr)


def _mk_idx2(idxp):
    m = idxp.shape[0]
    r = m // 128
    shp = jax.ShapeDtypeStruct((r, 128), jnp.int32)
    lo, hi = pl.pallas_call(
        _k_idx2, grid=(1,),
        in_specs=[pl.BlockSpec((r, 128), lambda i: (0, 0))],
        out_specs=[pl.BlockSpec((r, 128), lambda i: (0, 0))] * 2,
        out_shape=[shp, shp])(idxp.reshape(r, 128))
    return jnp.concatenate([lo.reshape(-1), hi.reshape(-1)])


def _k_out2norm(acc_ref, o_ref):
    acc = acc_ref[...]
    cnt = jnp.maximum(acc[:, D:D + 1], 1.0)
    cols = lax.broadcasted_iota(jnp.int32, (BLK, DP), 1)
    o_ref[...] = jnp.concatenate(
        [jnp.where(cols < D, acc / cnt, 0.0), jnp.zeros((BLK, 48), _f32)],
        axis=1)


def _k_wvals(ee_ref, z_ref, lwa_ref, lwb_ref, lb_ref, wv_ref):
    ee = ee_ref[..., :DP]
    z = z_ref[..., :DP]
    ne = (jnp.sum(ee * lwa_ref[...], axis=-1, keepdims=True)
          + jnp.sum(z * lwb_ref[...], axis=-1, keepdims=True) + lb_ref[...])
    ex2 = jnp.exp(ne)
    i = pl.program_id(0)
    rows = i * BLK + lax.broadcasted_iota(jnp.int32, (BLK, 1), 0)
    ex2 = jnp.where(rows < N_SUB, ex2, 0.0)
    wv_ref[...] = jnp.concatenate([ee * ex2, z * ex2], axis=1)


def _k_subrel(ee_ref, z_ref, wa_ref, wb_ref, b_ref, o_ref):
    srl = (jnp.dot(ee_ref[..., :DP], wa_ref[...], preferred_element_type=_f32)
           + jnp.dot(z_ref[..., :DP], wb_ref[...], preferred_element_type=_f32)
           + b_ref[...])
    o_ref[...] = jnp.concatenate([srl, jnp.zeros((BLK, 48), _f32)], axis=1)


def _k_head(acc_ref, w_ref, b_ref, ent_ref, o_ref):
    acc = acc_ref[...]
    srow = 1.0 / (acc[:, D:D + 1] + 1e-16)
    head = (jnp.dot(acc, w_ref[...], preferred_element_type=_f32) * srow
            + b_ref[...])
    o_ref[...] = (jnp.concatenate([head, jnp.zeros((BLK, 48), _f32)], axis=1)
                  + ent_ref[...])


def _k_ln(x_ref, g_ref, b_ref, o_ref, oc_ref):
    x = x_ref[...]
    mu = jnp.sum(x, axis=-1, keepdims=True) * (1.0 / D)
    v = jnp.sum(x * x, axis=-1, keepdims=True) * (1.0 / D) - mu * mu
    y = (x - mu) * lax.rsqrt(v + 1e-5) * g_ref[...] + b_ref[...]
    o_ref[...] = y
    oc_ref[...] = y[:, :D]


def _k_padent(x_ref, o_ref):
    o_ref[...] = jnp.concatenate(
        [x_ref[...], jnp.zeros((600, DG - D), _f32)], axis=1)


def _k_loss(ee_ref, sr_ref, see_ref, ssr_ref, o_ref):
    ee = ee_ref[...]
    sr = sr_ref[...]
    se = see_ref[...]
    ss = ssr_ref[...]
    laa = jax.nn.sigmoid(jnp.sum(ee * sr, axis=-1, keepdims=True))
    lbb = jax.nn.sigmoid(jnp.sum(se * ss, axis=-1, keepdims=True))
    lab = jax.nn.sigmoid(jnp.sum(ee * ss, axis=-1, keepdims=True))
    lba = jax.nn.sigmoid(jnp.sum(se * sr, axis=-1, keepdims=True))
    i = pl.program_id(0)
    rows = i * BLK + lax.broadcasted_iota(jnp.int32, (BLK, 1), 0)
    ok = rows < N_SUB
    p0 = jnp.sum(jnp.where(ok, jnp.maximum(lba - laa + 0.5, 0.0), 0.0))
    p1 = jnp.sum(jnp.where(ok, jnp.maximum(lab - lbb + 0.5, 0.0), 0.0))

    @pl.when(i == 0)
    def _():
        o_ref[...] = jnp.zeros((8, 128), _f32)

    lanes = lax.broadcasted_iota(jnp.int32, (8, 128), 1)
    rows8 = lax.broadcasted_iota(jnp.int32, (8, 128), 0)
    o_ref[...] += jnp.where(
        rows8 == 0, jnp.where(lanes == 0, p0, jnp.where(lanes == 1, p1, 0.0)),
        0.0)


def _k_count(b_ref, o_ref):
    blk = b_ref[...]
    lanes = lax.broadcasted_iota(jnp.int32, (1, 16), 1)
    acc = jnp.zeros((1, 16), _f32)
    for g in range(NUM_REL):
        cg = jnp.sum((blk == g).astype(_f32))
        acc = jnp.where(lanes == g, cg, acc)
    o_ref[...] = acc


def _k_relcon(rp_ref, m28_ref, w_ref, b2_ref, g_ref, b_ref, o_ref):
    rp = rp_ref[...]
    rows = lax.broadcasted_iota(jnp.int32, (32, 128), 0)
    low = jnp.where(rows < NUM_REL, rp, 0.0)
    tile14 = low + pltpu.roll(low, NUM_REL, 0)
    nr = tile14 * m28_ref[...] + rp
    y = jnp.dot(nr, w_ref[...], preferred_element_type=_f32) + b2_ref[...]
    mu = jnp.sum(y, axis=-1, keepdims=True) * (1.0 / D)
    v = jnp.sum(y * y, axis=-1, keepdims=True) * (1.0 / D) - mu * mu
    o_ref[...] = (y - mu) * lax.rsqrt(v + 1e-5) * g_ref[...] + b_ref[...]


def _k_relemb(id_ref, rc_ref, o_ref):
    oh = (id_ref[...] == lax.broadcasted_iota(jnp.int32, (BLK, 32), 1))
    o_ref[...] = jnp.dot(oh.astype(_f32), rc_ref[...],
                         preferred_element_type=_f32)



def _pad_rows(a, n):
    return jnp.pad(a, ((0, n - a.shape[0]),) + ((0, 0),) * (a.ndim - 1))


def _pad_idx(a, n):
    return jnp.pad(a.astype(jnp.int32), (0, n - a.shape[0]))


def _padw(w, r, c):
    return jnp.pad(w, ((0, r - w.shape[0]), (0, c - w.shape[1])))


def _gat_layer_pallas(xp, Wp, As16, Ad16, biasp, Eh, srcp, dstp, dst_i2, xw):
    P, stT = _rows_pc(
        _k_proj, N_PAD,
        [jax.ShapeDtypeStruct((N_PAD, DG), _f32),
         jax.ShapeDtypeStruct((N_PAD, 16), _f32)],
        [xp, Wp, As16, Ad16], [xw, None, None, None])
    stdst = _sc_gather(stT, dstp, 16, 2048)
    g = _sc_gather(P, srcp, DG, 384, tiled=True)
    sv = _rows_pc(
        functools.partial(_k_scale, E), E_PAD,
        [jax.ShapeDtypeStruct((E_PAD, DP + 16), _f32)],
        [g, stdst, Eh], [DG, 16, None])
    acc = _sc_scatter_add(sv, dst_i2, T2, DP + 16, 2048)
    return acc


def kernel(entity_emb, rel_param, W1, a_src1, a_dst1, bias1, W2, a_src2, a_dst2, bias2,
           layer_emb_W, layer_emb_b, rel_W, rel_b, sub_W, sub_b, out_W, out_b,
           ln_node_g, ln_node_b, ln_re_g, ln_re_b,
           b_x, edge_index, b_node_graph_index, sub, rel, shuf_index):
    entity_embp = pl.pallas_call(
        _k_padent, grid=(NUM_ENT // 600,),
        in_specs=[pl.BlockSpec((600, D), lambda i: (i, 0))],
        out_specs=pl.BlockSpec((600, DG), lambda i: (i, 0)),
        out_shape=jax.ShapeDtypeStruct((NUM_ENT, DG), _f32))(entity_emb)
    srcp = _pad_idx(edge_index[0], E_PAD)
    dstp = _pad_idx(edge_index[1], E_PAD)
    b_xp = _pad_idx(b_x, N_PAD)
    shufp = _pad_idx(shuf_index, N_PAD)
    subi = sub.astype(jnp.int32)

    hsel = jnp.repeat(jnp.arange(NH), FH)
    def _mk_a16(a):
        m = jnp.zeros((DP, 16), _f32)
        return m.at[jnp.arange(D), hsel].set(a.reshape(-1))
    As1, Ad1 = _mk_a16(a_src1), _mk_a16(a_dst1)
    As2, Ad2 = _mk_a16(a_src2), _mk_a16(a_dst2)
    Eh = jnp.zeros((16, DP), _f32).at[hsel, jnp.arange(D)].set(1.0)
    W1p = _padw(W1, DG, DP)
    W2p = _padw(W2, DP, DP)
    b1p = _padw(bias1.reshape(1, -1), 1, DP)
    b2p = _padw(bias2.reshape(1, -1), 1, DP)
    lwa = _padw(layer_emb_W[:D].reshape(1, -1), 1, DP)
    lwb = _padw(layer_emb_W[D:].reshape(1, -1), 1, DP)
    lb = layer_emb_b.reshape(1, 1)
    sWa = _padw(sub_W[:D], DP, DP)
    sWb = _padw(sub_W[D:], DP, DP)
    sbp = _padw(sub_b.reshape(1, -1), 1, DP)
    W6 = jnp.zeros((2 * DP, DP), _f32)
    W6 = W6.at[:D, :D].set(out_W[:D]).at[DP:DP + D, :D].set(out_W[D:])
    obp = _padw(out_b.reshape(1, -1), 1, DP)
    lngp = _padw(ln_node_g.reshape(1, -1), 1, DG)
    lnbp = _padw(ln_node_b.reshape(1, -1), 1, DG)
    lngr = _padw(ln_re_g.reshape(1, -1), 1, DP)
    lnbr = _padw(ln_re_b.reshape(1, -1), 1, DP)
    rWp = _padw(rel_W, 100, DP)
    rb2 = _padw((2.0 * rel_b).reshape(1, -1), 1, DP)
    bngi2 = jnp.pad(b_node_graph_index.astype(jnp.int32), (0, N_PAD - N_SUB),
                    constant_values=15).reshape(N_PAD // 128, 128)

    dst_i2 = _mk_idx2(dstp)
    bx_i2 = _mk_idx2(b_xp)

    xp = _sc_gather(entity_embp, b_xp, DG, 384, tiled=True)
    acc1 = _gat_layer_pallas(xp, W1p, As1, Ad1, b1p, Eh, srcp, dstp, dst_i2,
                             DG)
    h = _rows_pc(functools.partial(_k_epi, False, N_SUB), N_PAD,
                 [jax.ShapeDtypeStruct((N_PAD, DP), _f32)],
                 [acc1, xp, b1p, Eh], [DP + 16, DG, None, None])
    acc2 = _gat_layer_pallas(h, W2p, As2, Ad2, b2p, Eh, srcp, dstp, dst_i2,
                             DP)
    eep, eep256 = _rows_pc(functools.partial(_k_epi, True, N_SUB), N_PAD,
                           [jax.ShapeDtypeStruct((N_PAD, DP), _f32),
                            jax.ShapeDtypeStruct((N_PAD, DG), _f32)],
                           [acc2, h, b2p, Eh], [DP + 16, DP, None, None])

    accB = _sc_scatter_add(eep, bx_i2, T2, DP, 2048)
    out2 = _rows_pc(_k_out2norm, N_PAD,
                    [jax.ShapeDtypeStruct((N_PAD, DG), _f32)], [accB], [DP])
    z = _sc_gather(out2, b_xp, DG, 384, tiled=True)
    ee_bx = _sc_gather(eep256, b_xp, DG, 384, tiled=True)
    wv = _rows_pc(_k_wvals, N_PAD,
                  [jax.ShapeDtypeStruct((N_PAD, 2 * DP), _f32)],
                  [ee_bx, z, lwa, lwb, lb], [DG, DG, None, None, None])
    acc3 = _sc_scatter_add(wv, bx_i2, T2, 2 * DP, 2048)
    head = _rows_pc(_k_head, N_PAD,
                    [jax.ShapeDtypeStruct((N_PAD, DG), _f32)],
                    [acc3, W6, obp, entity_embp[:N_PAD]],
                    [2 * DP, None, None, DG])
    lnin = jnp.concatenate([head[:KSEG], entity_embp[KSEG:]], 0)
    entity_con_p, entity_con = pl.pallas_call(
        _k_ln, grid=(NUM_ENT // 600,),
        in_specs=[pl.BlockSpec((600, DG), lambda i: (i, 0)),
                  pl.BlockSpec((1, DG), lambda i: (0, 0)),
                  pl.BlockSpec((1, DG), lambda i: (0, 0))],
        out_specs=[pl.BlockSpec((600, DG), lambda i: (i, 0)),
                   pl.BlockSpec((600, D), lambda i: (i, 0))],
        out_shape=[jax.ShapeDtypeStruct((NUM_ENT, DG), _f32),
                   jax.ShapeDtypeStruct((NUM_ENT, D), _f32)])(
            lnin, lngp, lnbp)

    cnt = pl.pallas_call(
        _k_count, grid=(1,),
        in_specs=[pl.BlockSpec((N_PAD // 128, 128), lambda i: (0, 0))],
        out_specs=pl.BlockSpec((1, 16), lambda i: (0, 0)),
        out_shape=jax.ShapeDtypeStruct((1, 16), _f32))(bngi2)
    m14 = (cnt[0, :NUM_REL] > 0).astype(_f32)
    m28 = jnp.concatenate([m14, m14, jnp.zeros((4,), _f32)]).reshape(32, 1)
    rp32 = jnp.pad(rel_param, ((0, 4), (0, 28)))
    rW128 = jnp.pad(rWp, ((0, 28), (0, 0)))
    rc32 = pl.pallas_call(
        _k_relcon, grid=(1,),
        in_specs=[pl.BlockSpec((32, 128), lambda i: (0, 0)),
                  pl.BlockSpec((32, 1), lambda i: (0, 0)),
                  pl.BlockSpec((128, DP), lambda i: (0, 0)),
                  pl.BlockSpec((1, DP), lambda i: (0, 0)),
                  pl.BlockSpec((1, DP), lambda i: (0, 0)),
                  pl.BlockSpec((1, DP), lambda i: (0, 0))],
        out_specs=pl.BlockSpec((32, DP), lambda i: (0, 0)),
        out_shape=jax.ShapeDtypeStruct((32, DP), _f32))(
            rp32, m28, rW128, rb2, lngr, lnbr)
    rel_con = rc32[:2 * NUM_REL, :D]
    rel_emb = _rows_pc(_k_relemb, BQ,
                       [jax.ShapeDtypeStruct((BQ, DP), _f32)],
                       [rel.astype(jnp.int32).reshape(BQ, 1), rc32],
                       [1, None])[:, :D]

    srl = _rows_pc(_k_subrel, N_PAD,
                   [jax.ShapeDtypeStruct((N_PAD, DG), _f32)],
                   [ee_bx, z, sWa, sWb, sbp], [DG, DG, None, None, None])
    se_ = _sc_gather(eep256, shufp, DG, 384, tiled=True)
    sr_ = _sc_gather(srl, shufp, DG, 384, tiled=True)
    parts = pl.pallas_call(
        _k_loss, grid=(N_PAD // BLK,),
        in_specs=[pl.BlockSpec((BLK, DG), lambda i: (i, 0))] * 4,
        out_specs=pl.BlockSpec((8, 128), lambda i: (0, 0)),
        out_shape=jax.ShapeDtypeStruct((8, 128), _f32))(
            eep256, srl, se_, sr_)
    cl_loss = (parts[0, 0] + parts[0, 1]) / N_SUB

    sub_emb = _sc_gather(entity_con_p, subi, DG, 384, tiled=True)[:, :D]
    return (sub_emb, rel_emb, entity_con, cl_loss, rel_con)

# --- scband reference (transcript-rebuilt; emitter-appended) ---
"""Pipeline reference for scband-mmgcnbase-76055280877659 (READ-ONLY COPY).

The authoritative reference and input builder live on the scoring server;
editing this copy changes nothing except your own understanding.
"""

import jax, jax.numpy as jnp
import numpy as np

NUM_ENT = 72000
K = 70108
NUM_REL = 14
N_SUB = 70108
E = 400000
B = 4096
NH = 4
FH = 50
D = 200


def _seg_softmax(x, seg, n):
    m = jax.ops.segment_max(x, seg, num_segments=n)
    m = jnp.where(jnp.isfinite(m), m, 0.0)
    ex = jnp.exp(x - m[seg])
    d = jax.ops.segment_sum(ex, seg, num_segments=n)
    return ex / (d[seg] + 1e-16)


def _seg_mean(x, seg, n):
    s = jax.ops.segment_sum(x, seg, num_segments=n)
    c = jax.ops.segment_sum(jnp.ones((x.shape[0], 1), x.dtype), seg, num_segments=n)
    return s / jnp.maximum(c, 1.0)


def _gat_layer(x, src, dst, W, a_s, a_d, b, n):
    proj = (x @ W).reshape(n, NH, FH)
    ss = jnp.sum(proj * a_s[None, :, :], axis=-1)
    st = jnp.sum(proj * a_d[None, :, :], axis=-1)
    e = jax.nn.leaky_relu(ss[src] + st[dst], 0.2)
    att = _seg_softmax(e, dst, n)
    out = jax.ops.segment_sum(proj[src] * att[:, :, None], dst, num_segments=n)
    out = out + x.reshape(n, NH, FH)
    return out.reshape(n, NH * FH) + b


def _ln(x, g, b):
    mu = jnp.mean(x, axis=-1, keepdims=True)
    v = jnp.var(x, axis=-1, keepdims=True)
    return (x - mu) / jnp.sqrt(v + 1e-5) * g + b


def setup_inputs(seed: int = 0):
    key = jax.random.key(seed)
    ks = jax.random.split(key, 32)
    s = 0.05
    inp = {}
    inp['entity_emb'] = jax.random.normal(ks[0], (NUM_ENT, D), jnp.float32) * s
    inp['rel_param'] = jax.random.normal(ks[1], (2 * NUM_REL, 100), jnp.float32) * s
    inp['W1'] = jax.random.normal(ks[2], (D, NH * FH), jnp.float32) * s
    inp['a_src1'] = jax.random.normal(ks[3], (NH, FH), jnp.float32) * s
    inp['a_dst1'] = jax.random.normal(ks[4], (NH, FH), jnp.float32) * s
    inp['bias1'] = jnp.zeros((NH * FH,), jnp.float32)
    inp['W2'] = jax.random.normal(ks[5], (D, NH * FH), jnp.float32) * s
    inp['a_src2'] = jax.random.normal(ks[6], (NH, FH), jnp.float32) * s
    inp['a_dst2'] = jax.random.normal(ks[7], (NH, FH), jnp.float32) * s
    inp['bias2'] = jnp.zeros((NH * FH,), jnp.float32)
    inp['layer_emb_W'] = jax.random.normal(ks[8], (400, 1), jnp.float32) * s
    inp['layer_emb_b'] = jnp.zeros((1,), jnp.float32)
    inp['rel_W'] = jax.random.normal(ks[9], (100, 200), jnp.float32) * s
    inp['rel_b'] = jnp.zeros((200,), jnp.float32)
    inp['sub_W'] = jax.random.normal(ks[10], (400, 200), jnp.float32) * s
    inp['sub_b'] = jnp.zeros((200,), jnp.float32)
    inp['out_W'] = jax.random.normal(ks[11], (400, 200), jnp.float32) * s
    inp['out_b'] = jnp.zeros((200,), jnp.float32)
    inp['ln_node_g'] = jnp.ones((200,), jnp.float32)
    inp['ln_node_b'] = jnp.zeros((200,), jnp.float32)
    inp['ln_re_g'] = jnp.ones((200,), jnp.float32)
    inp['ln_re_b'] = jnp.zeros((200,), jnp.float32)
    inp['b_x'] = jax.random.randint(ks[20], (N_SUB,), 0, K, dtype=jnp.int32)
    inp['edge_index'] = jax.random.randint(ks[21], (2, E), 0, N_SUB, dtype=jnp.int32)
    inp['b_node_graph_index'] = jax.random.randint(ks[22], (N_SUB,), 0, NUM_REL, dtype=jnp.int32)
    inp['sub'] = jax.random.randint(ks[23], (B,), 0, NUM_ENT, dtype=jnp.int32)
    inp['rel'] = jax.random.randint(ks[24], (B,), 0, 2 * NUM_REL, dtype=jnp.int32)
    inp['shuf_index'] = jax.random.permutation(ks[25], N_SUB)
    return inp


def reference(entity_emb, rel_param, W1, a_src1, a_dst1, bias1, W2, a_src2, a_dst2, bias2,
              layer_emb_W, layer_emb_b, rel_W, rel_b, sub_W, sub_b, out_W, out_b,
              ln_node_g, ln_node_b, ln_re_g, ln_re_b,
              b_x, edge_index, b_node_graph_index, sub, rel, shuf_index):
    src, dst = edge_index[0], edge_index[1]
    # multi_context_encoder
    x = entity_emb[b_x]
    h = _gat_layer(x, src, dst, W1, a_src1, a_dst1, bias1, N_SUB)
    h = jax.nn.elu(h)
    entity_embed = _gat_layer(h, src, dst, W2, a_src2, a_dst2, bias2, N_SUB)
    out = _seg_mean(entity_embed, b_x, K)
    z = out[b_x]
    emb = jnp.concatenate([entity_embed[b_x], z], axis=-1)
    new_emb = emb @ layer_emb_W + layer_emb_b
    z_s = _seg_softmax(new_emb, b_x, K)
    new_out = jax.ops.segment_sum(z_s * emb, b_x, num_segments=K)
    head = new_out @ out_W + out_b + entity_emb[:K]
    new_out = jnp.concatenate([head, entity_emb[K:]], axis=0)
    # relation path
    nre = rel_param[b_node_graph_index]
    rel_embeds = _seg_mean(nre, b_node_graph_index, NUM_REL)
    new_rel = jnp.concatenate([rel_embeds, rel_embeds], axis=0)
    new_rel_out = (new_rel @ rel_W + rel_b) + (rel_param @ rel_W + rel_b)
    # contrastive_loss branch -> layer norms
    entity_con = _ln(new_out, ln_node_g, ln_node_b)
    rel_con = _ln(new_rel_out, ln_re_g, ln_re_b)
    # sub_contrast
    sub_rel = emb @ sub_W + sub_b
    se_ = entity_embed[shuf_index]
    sr_ = sub_rel[shuf_index]
    laa = jax.nn.sigmoid(jnp.sum(entity_embed * sub_rel, axis=-1))
    lbb = jax.nn.sigmoid(jnp.sum(se_ * sr_, axis=-1))
    lab = jax.nn.sigmoid(jnp.sum(entity_embed * sr_, axis=-1))
    lba = jax.nn.sigmoid(jnp.sum(se_ * sub_rel, axis=-1))
    cl_loss = jnp.mean(jax.nn.relu(lba - laa + 0.5)) + jnp.mean(jax.nn.relu(lab - lbb + 0.5))
    # drop is identity at eval time
    sub_emb = entity_con[sub]
    rel_emb = rel_con[rel]
    return (sub_emb, rel_emb, entity_con, cl_loss, rel_con)

if __name__ == "__main__":
    import jax
    _d = setup_inputs()
    print(jax.jit(kernel)(*tuple(_d.values())))

</pallas_src>

<mosaic_0001>
#map = affine_map<(d0, d1) -> (0, 0)>
#map1 = affine_map<(d0, d1) -> (0)>
module attributes {stable_mosaic.version = 14 : i64} {
  func.func @k(%arg0: i32, %arg1: i32, %arg2: memref<72000x256xf32, #tpu.memory_space<hbm>>, %arg3: memref<70656xi32, #tpu.memory_space<hbm>>, %arg4: memref<70656x256xf32, #tpu.memory_space<hbm>>, %arg5: memref<384xi32, #tpu.memory_space<vmem>>, %arg6: memref<384x256xf32, #tpu.memory_space<vmem>>, %arg7: memref<!tpu.dma_semaphore, #tpu.memory_space<semaphore_mem>>) attributes {dimension_semantics = [#tpu.dimension_semantics<core_parallel>, #tpu.dimension_semantics<subcore_parallel>], iteration_bounds = array<i64: 2, 16>, scalar_prefetch = 0 : i64, scratch_operands = 3 : i64, tpu.core_type = #tpu.core_type<sc_vector_subcore>, window_params = [{transform_indices = #map}, {transform_indices = #map1}, {transform_indices = #map}]} {
    %mul3A = arith.constant 2 : i32
    %mul3A_0 = arith.muli %arg1, %mul3A : i32
    %add3A = arith.addi %mul3A_0, %arg0 : i32
    %mul3A_1 = arith.constant 2208 : i32
    %mul3A_2 = arith.muli %add3A, %mul3A_1 : i32
    %scan3A = arith.constant 0 : i32
    %scan3A_3 = arith.constant 0 : i32
    %scan3A_4 = arith.constant 5 : i32
    %scan3A_5 = arith.addi %scan3A_3, %scan3A_4 : i32
    %scan3A_6 = arith.constant 1 : i32
    %scan3A_7 = scf.for %scan3A_25 = %scan3A_3 to %scan3A_5 step %scan3A_6 iter_args(%scan3A_26 = %scan3A) -> (i32)  : i32 {
      %mul3A_27 = arith.constant 384 : i32
      %mul3A_28 = arith.muli %scan3A_25, %mul3A_27 : i32
      %add3A_29 = arith.addi %mul3A_2, %mul3A_28 : i32
      "tpu.region"() ({
        %run_scoped3A = tpu.sem_alloc : memref<!tpu.dma_semaphore, #tpu.memory_space<semaphore_mem>>
        %dma_start3A_47 = arith.constant 0 : i32
        %dma_start3A_48 = tpu.memref_slice %arg5[%dma_start3A_47] : memref<384xi32, #tpu.memory_space<vmem>> -> memref<384xi32, #tpu.memory_space<vmem>>
        %dma_start3A_49 = tpu.memref_slice %arg3[%add3A_29] : memref<70656xi32, #tpu.memory_space<hbm>> -> memref<384xi32, #tpu.memory_space<hbm>>
        %dma_start3A_50 = arith.constant 0 : i32
        %dma_start3A_51 = tpu.memref_slice %arg5[%dma_start3A_50] : memref<384xi32, #tpu.memory_space<vmem>> -> memref<384xi32, #tpu.memory_space<vmem>>
        %dma_start3A_52 = tpu.memref_slice %arg3[%add3A_29] : memref<70656xi32, #tpu.memory_space<hbm>> -> memref<384xi32, #tpu.memory_space<hbm>>
        tpu.enqueue_dma source(%dma_start3A_52 : memref<384xi32, #tpu.memory_space<hbm>>) target(%dma_start3A_51 : memref<384xi32, #tpu.memory_space<vmem>>) target_semaphore(%run_scoped3A : memref<!tpu.dma_semaphore, #tpu.memory_space<semaphore_mem>>)
        %dma_wait3A_53 = arith.constant 0 : i32
        %dma_wait3A_54 = tpu.memref_slice %arg5[%dma_wait3A_53] : memref<384xi32, #tpu.memory_space<vmem>> -> memref<384xi32, #tpu.memory_space<vmem>>
        %dma_wait3A_55 = tpu.memref_slice %arg3[%add3A_29] : memref<70656xi32, #tpu.memory_space<hbm>> -> memref<384xi32, #tpu.memory_space<hbm>>
        %dma_wait3A_56 = arith.constant 0 : i32
        %dma_wait3A_57 = tpu.memref_slice %arg5[%dma_wait3A_56] : memref<384xi32, #tpu.memory_space<vmem>> -> memref<384xi32, #tpu.memory_space<vmem>>
        %dma_wait3A_58 = tpu.memref_slice %arg3[%add3A_29] : memref<70656xi32, #tpu.memory_space<hbm>> -> memref<384xi32, #tpu.memory_space<hbm>>
        tpu.wait_dma2 semaphore(%run_scoped3A : memref<!tpu.dma_semaphore, #tpu.memory_space<semaphore_mem>>) src(%dma_wait3A_58 : memref<384xi32, #tpu.memory_space<hbm>>) dst(%dma_wait3A_57 : memref<384xi32, #tpu.memory_space<vmem>>)
        tpu.yield
      }) : () -> ()
      %dma_start3A_30 = arith.constant 0 : i32
      %dma_start3A_31 = arith.constant 0 : i32
      %dma_start3A_32 = tpu.memref_slice %arg6[%dma_start3A_30, %dma_start3A_31] : memref<384x256xf32, #tpu.memory_space<vmem>> -> memref<384x256xf32, #tpu.memory_space<vmem>>
      %dma_start3A_33 = arith.constant 0 : i32
      %dma_start3A_34 = tpu.memref_slice %arg5[%dma_start3A_33] : memref<384xi32, #tpu.memory_space<vmem>> -> memref<384xi32, #tpu.memory_space<vmem>>
      %dma_start3A_35 = arith.constant 0 : i32
      %dma_start3A_36 = arith.constant 0 : i32
      %dma_start3A_37 = tpu.memref_slice %arg2[%dma_start3A_35, %dma_start3A_36] : memref<72000x256xf32, #tpu.memory_space<hbm>> -> memref<72000x256xf32, #tpu.memory_space<hbm>>
      tpu.enqueue_indirect_dma source(%dma_start3A_37 : memref<72000x256xf32, #tpu.memory_space<hbm>>) target(%dma_start3A_32 : memref<384x256xf32, #tpu.memory_space<vmem>>) offsets(%dma_start3A_34 : memref<384xi32, #tpu.memory_space<vmem>>) semaphore(%arg7 : memref<!tpu.dma_semaphore, #tpu.memory_space<semaphore_mem>>)
      %dma_wait3A_38 = arith.constant 0 : i32
      %dma_wait3A_39 = arith.constant 0 : i32
      %dma_wait3A_40 = tpu.memref_slice %arg6[%dma_wait3A_38, %dma_wait3A_39] : memref<384x256xf32, #tpu.memory_space<vmem>> -> memref<384x256xf32, #tpu.memory_space<vmem>>
      %dma_wait3A_41 = arith.constant 0 : i32
      %dma_wait3A_42 = tpu.memref_slice %arg5[%dma_wait3A_41] : memref<384xi32, #tpu.memory_space<vmem>> -> memref<384xi32, #tpu.memory_space<vmem>>
      %dma_wait3A_43 = arith.constant 0 : i32
      %dma_wait3A_44 = arith.constant 0 : i32
      %dma_wait3A_45 = tpu.memref_slice %arg2[%dma_wait3A_43, %dma_wait3A_44] : memref<72000x256xf32, #tpu.memory_space<hbm>> -> memref<72000x256xf32, #tpu.memory_space<hbm>>
      tpu.wait_indirect_dma semaphore(%arg7 : memref<!tpu.dma_semaphore, #tpu.memory_space<semaphore_mem>>) src(%dma_wait3A_45 : memref<72000x256xf32, #tpu.memory_space<hbm>>) dst(%dma_wait3A_40 : memref<384x256xf32, #tpu.memory_space<vmem>>)
      "tpu.region"() ({
        %run_scoped3A = tpu.sem_alloc : memref<!tpu.dma_semaphore, #tpu.memory_space<semaphore_mem>>
        %dma_start3A_47 = arith.constant 0 : i32
        %dma_start3A_48 = arith.constant 0 : i32
        %dma_start3A_49 = tpu.memref_slice %arg6[%dma_start3A_47, %dma_start3A_48] : memref<384x256xf32, #tpu.memory_space<vmem>> -> memref<384x256xf32, #tpu.memory_space<vmem>>
        %dma_start3A_50 = arith.constant 0 : i32
        %dma_start3A_51 = tpu.memref_slice %arg4[%add3A_29, %dma_start3A_50] : memref<70656x256xf32, #tpu.memory_space<hbm>> -> memref<384x256xf32, #tpu.memory_space<hbm>>
        %dma_start3A_52 = arith.constant 0 : i32
        %dma_start3A_53 = tpu.memref_slice %arg4[%add3A_29, %dma_start3A_52] : memref<70656x256xf32, #tpu.memory_space<hbm>> -> memref<384x256xf32, #tpu.memory_space<hbm>>
        %dma_start3A_54 = arith.constant 0 : i32
        %dma_start3A_55 = arith.constant 0 : i32
        %dma_start3A_56 = tpu.memref_slice %arg6[%dma_start3A_54, %dma_start3A_55] : memref<384x256xf32, #tpu.memory_space<vmem>> -> memref<384x256xf32, #tpu.memory_space<vmem>>
        tpu.enqueue_dma source(%dma_start3A_56 : memref<384x256xf32, #tpu.memory_space<vmem>>) target(%dma_start3A_53 : memref<384x256xf32, #tpu.memory_space<hbm>>) target_semaphore(%run_scoped3A : memref<!tpu.dma_semaphore, #tpu.memory_space<semaphore_mem>>)
        %dma_wait3A_57 = arith.constant 0 : i32
        %dma_wait3A_58 = arith.constant 0 : i32
        %dma_wait3A_59 = tpu.memref_slice %arg6[%dma_wait3A_57, %dma_wait3A_58] : memref<384x256xf32, #tpu.memory_space<vmem>> -> memref<384x256xf32, #tpu.memory_space<vmem>>
        %dma_wait3A_60 = arith.constant 0 : i32
        %dma_wait3A_61 = tpu.memref_slice %arg4[%add3A_29, %dma_wait3A_60] : memref<70656x256xf32, #tpu.memory_space<hbm>> -> memref<384x256xf32, #tpu.memory_space<hbm>>
        %dma_wait3A_62 = arith.constant 0 : i32
        %dma_wait3A_63 = tpu.memref_slice %arg4[%add3A_29, %dma_wait3A_62] : memref<70656x256xf32, #tpu.memory_space<hbm>> -> memref<384x256xf32, #tpu.memory_space<hbm>>
        %dma_wait3A_64 = arith.constant 0 : i32
        %dma_wait3A_65 = arith.constant 0 : i32
        %dma_wait3A_66 = tpu.memref_slice %arg6[%dma_wait3A_64, %dma_wait3A_65] : memref<384x256xf32, #tpu.memory_space<vmem>> -> memref<384x256xf32, #tpu.memory_space<vmem>>
        tpu.wait_dma2 semaphore(%run_scoped3A : memref<!tpu.dma_semaphore, #tpu.memory_space<semaphore_mem>>) src(%dma_wait3A_66 : memref<384x256xf32, #tpu.memory_space<vmem>>) dst(%dma_wait3A_63 : memref<384x256xf32, #tpu.memory_space<hbm>>)
        tpu.yield
      }) : () -> ()
      %scan3A_46 = arith.constant 0 : i32
      scf.yield %scan3A_46 : i32
    }
    %scan3A_8 = arith.constant 5 : i32
    %add3A_9 = arith.constant 1920 : i32
    %add3A_10 = arith.addi %mul3A_2, %add3A_9 : i32
    "tpu.region"() ({
      %run_scoped3A = tpu.sem_alloc : memref<!tpu.dma_semaphore, #tpu.memory_space<semaphore_mem>>
      %dma_start3A_25 = arith.constant 0 : i32
      %dma_start3A_26 = tpu.memref_slice %arg5[%dma_start3A_25] : memref<384xi32, #tpu.memory_space<vmem>> -> memref<288xi32, #tpu.memory_space<vmem>>
      %dma_start3A_27 = tpu.memref_slice %arg3[%add3A_10] : memref<70656xi32, #tpu.memory_space<hbm>> -> memref<288xi32, #tpu.memory_space<hbm>>
      %dma_start3A_28 = arith.constant 0 : i32
      %dma_start3A_29 = tpu.memref_slice %arg5[%dma_start3A_28] : memref<384xi32, #tpu.memory_space<vmem>> -> memref<288xi32, #tpu.memory_space<vmem>>
      %dma_start3A_30 = tpu.memref_slice %arg3[%add3A_10] : memref<70656xi32, #tpu.memory_space<hbm>> -> memref<288xi32, #tpu.memory_space<hbm>>
      tpu.enqueue_dma source(%dma_start3A_30 : memref<288xi32, #tpu.memory_space<hbm>>) target(%dma_start3A_29 : memref<288xi32, #tpu.memory_space<vmem>>) target_semaphore(%run_scoped3A : memref<!tpu.dma_semaphore, #tpu.memory_space<semaphore_mem>>)
      %dma_wait3A_31 = arith.constant 0 : i32
      %dma_wait3A_32 = tpu.memref_slice %arg5[%dma_wait3A_31] : memref<384xi32, #tpu.memory_space<vmem>> -> memref<288xi32, #tpu.memory_space<vmem>>
      %dma_wait3A_33 = tpu.memref_slice %arg3[%add3A_10] : memref<70656xi32, #tpu.memory_space<hbm>> -> memref<288xi32, #tpu.memory_space<hbm>>
      %dma_wait3A_34 = arith.constant 0 : i32
      %dma_wait3A_35 = tpu.memref_slice %arg5[%dma_wait3A_34] : memref<384xi32, #tpu.memory_space<vmem>> -> memref<288xi32, #tpu.memory_space<vmem>>
      %dma_wait3A_36 = tpu.memref_slice %arg3[%add3A_10] : memref<70656xi32, #tpu.memory_space<hbm>> -> memref<288xi32, #tpu.memory_space<hbm>>
      tpu.wait_dma2 semaphore(%run_scoped3A : memref<!tpu.dma_semaphore, #tpu.memory_space<semaphore_mem>>) src(%dma_wait3A_36 : memref<288xi32, #tpu.memory_space<hbm>>) dst(%dma_wait3A_35 : memref<288xi32, #tpu.memory_space<vmem>>)
      tpu.yield
    }) : () -> ()
    %dma_start3A = arith.constant 0 : i32
    %dma_start3A_11 = arith.constant 0 : i32
    %dma_start3A_12 = tpu.memref_slice %arg6[%dma_start3A, %dma_start3A_11] : memref<384x256xf32, #tpu.memory_space<vmem>> -> memref<288x256xf32, #tpu.memory_space<vmem>>
    %dma_start3A_13 = arith.constant 0 : i32
    %dma_start3A_14 = tpu.memref_slice %arg5[%dma_start3A_13] : memref<384xi32, #tpu.memory_space<vmem>> -> memref<288xi32, #tpu.memory_space<vmem>>
    %dma_start3A_15 = arith.constant 0 : i32
    %dma_start3A_16 = arith.constant 0 : i32
    %dma_start3A_17 = tpu.memref_slice %arg2[%dma_start3A_15, %dma_start3A_16] : memref<72000x256xf32, #tpu.memory_space<hbm>> -> memref<72000x256xf32, #tpu.memory_space<hbm>>
    tpu.enqueue_indirect_dma source(%dma_start3A_17 : memref<72000x256xf32, #tpu.memory_space<hbm>>) target(%dma_start3A_12 : memref<288x256xf32, #tpu.memory_space<vmem>>) offsets(%dma_start3A_14 : memref<288xi32, #tpu.memory_space<vmem>>) semaphore(%arg7 : memref<!tpu.dma_semaphore, #tpu.memory_space<semaphore_mem>>)
    %dma_wait3A = arith.constant 0 : i32
    %dma_wait3A_18 = arith.constant 0 : i32
    %dma_wait3A_19 = tpu.memref_slice %arg6[%dma_wait3A, %dma_wait3A_18] : memref<384x256xf32, #tpu.memory_space<vmem>> -> memref<288x256xf32, #tpu.memory_space<vmem>>
    %dma_wait3A_20 = arith.constant 0 : i32
    %dma_wait3A_21 = tpu.memref_slice %arg5[%dma_wait3A_20] : memref<384xi32, #tpu.memory_space<vmem>> -> memref<288xi32, #tpu.memory_space<vmem>>
    %dma_wait3A_22 = arith.constant 0 : i32
    %dma_wait3A_23 = arith.constant 0 : i32
    %dma_wait3A_24 = tpu.memref_slice %arg2[%dma_wait3A_22, %dma_wait3A_23] : memref<72000x256xf32, #tpu.memory_space<hbm>> -> memref<72000x256xf32, #tpu.memory_space<hbm>>
    tpu.wait_indirect_dma semaphore(%arg7 : memref<!tpu.dma_semaphore, #tpu.memory_space<semaphore_mem>>) src(%dma_wait3A_24 : memref<72000x256xf32, #tpu.memory_space<hbm>>) dst(%dma_wait3A_19 : memref<288x256xf32, #tpu.memory_space<vmem>>)
    "tpu.region"() ({
      %run_scoped3A = tpu.sem_alloc : memref<!tpu.dma_semaphore, #tpu.memory_space<semaphore_mem>>
      %dma_start3A_25 = arith.constant 0 : i32
      %dma_start3A_26 = arith.constant 0 : i32
      %dma_start3A_27 = tpu.memref_slice %arg6[%dma_start3A_25, %dma_start3A_26] : memref<384x256xf32, #tpu.memory_space<vmem>> -> memref<288x256xf32, #tpu.memory_space<vmem>>
      %dma_start3A_28 = arith.constant 0 : i32
      %dma_start3A_29 = tpu.memref_slice %arg4[%add3A_10, %dma_start3A_28] : memref<70656x256xf32, #tpu.memory_space<hbm>> -> memref<288x256xf32, #tpu.memory_space<hbm>>
      %dma_start3A_30 = arith.constant 0 : i32
      %dma_start3A_31 = tpu.memref_slice %arg4[%add3A_10, %dma_start3A_30] : memref<70656x256xf32, #tpu.memory_space<hbm>> -> memref<288x256xf32, #tpu.memory_space<hbm>>
      %dma_start3A_32 = arith.constant 0 : i32
      %dma_start3A_33 = arith.constant 0 : i32
      %dma_start3A_34 = tpu.memref_slice %arg6[%dma_start3A_32, %dma_start3A_33] : memref<384x256xf32, #tpu.memory_space<vmem>> -> memref<288x256xf32, #tpu.memory_space<vmem>>
      tpu.enqueue_dma source(%dma_start3A_34 : memref<288x256xf32, #tpu.memory_space<vmem>>) target(%dma_start3A_31 : memref<288x256xf32, #tpu.memory_space<hbm>>) target_semaphore(%run_scoped3A : memref<!tpu.dma_semaphore, #tpu.memory_space<semaphore_mem>>)
      %dma_wait3A_35 = arith.constant 0 : i32
      %dma_wait3A_36 = arith.constant 0 : i32
      %dma_wait3A_37 = tpu.memref_slice %arg6[%dma_wait3A_35, %dma_wait3A_36] : memref<384x256xf32, #tpu.memory_space<vmem>> -> memref<288x256xf32, #tpu.memory_space<vmem>>
      %dma_wait3A_38 = arith.constant 0 : i32
      %dma_wait3A_39 = tpu.memref_slice %arg4[%add3A_10, %dma_wait3A_38] : memref<70656x256xf32, #tpu.memory_space<hbm>> -> memref<288x256xf32, #tpu.memory_space<hbm>>
      %dma_wait3A_40 = arith.constant 0 : i32
      %dma_wait3A_41 = tpu.memref_slice %arg4[%add3A_10, %dma_wait3A_40] : memref<70656x256xf32, #tpu.memory_space<hbm>> -> memref<288x256xf32, #tpu.memory_space<hbm>>
      %dma_wait3A_42 = arith.constant 0 : i32
      %dma_wait3A_43 = arith.constant 0 : i32
      %dma_wait3A_44 = tpu.memref_slice %arg6[%dma_wait3A_42, %dma_wait3A_43] : memref<384x256xf32, #tpu.memory_space<vmem>> -> memref<288x256xf32, #tpu.memory_space<vmem>>
      tpu.wait_dma2 semaphore(%run_scoped3A : memref<!tpu.dma_semaphore, #tpu.memory_space<semaphore_mem>>) src(%dma_wait3A_44 : memref<288x256xf32, #tpu.memory_space<vmem>>) dst(%dma_wait3A_41 : memref<288x256xf32, #tpu.memory_space<hbm>>)
      tpu.yield
    }) : () -> ()
    return
  }
}

</mosaic_0001>

<sc_bundles>
// kernel: _sc_gather.3.cloned.1.call-start
scs
__scs_entry_jumppad:
0x0: {  	(pc) =	sbr.rel $0x88, $3  }
0x1: {  	(tag) =	ssettag $0x0;
	lr =	simm.s32 $0x1  }
0x2: {  	[smem:$0x3F9F] =	sst lr;
	_ =	strace $0xD0000000  }
0x3: {  	_ = 	snop  }
0x4: {  	_ = 	snop  }
0x5: {  	_ = 	snop  }
0x6: {  	_ = 	snop  }
0x7: {  	_ = 	snop  }
__scs_overlays_trampoline_lowered:
0x8: {  	[smem:$0x3FAE] =	sst s0  }
0x9: {  	[smem:$0x3FAF] =	sst s1  }
0xa: {  	[smem:$0x3FB0] =	sst s2  }
0xb: {  	[smem:$0x3FB1] =	sst s3  }
0xc: {  	[smem:$0x3FB2] =	sst s4  }
0xd: {  	[smem:$0x3FB3] =	sst s5  }
0xe: {  	[smem:$0x3FB4] =	sst s6  }
0xf: {  	[smem:$0x3FB5] =	sst s7  }
0x10: {  	[smem:$0x3FB6] =	sst s8  }
0x11: {  	[smem:$0x3FB7] =	sst s9;
	s0 =	simm.s32 @!p0 $0x0  }
0x12: {  	s1 =	sld [smem:$0x3F9D];
	s0 =	simm.s32 @p0 $0x1  }
0x13: {  	[smem:$0x3FB8] =	sst s0;
	s0 =	simm.s32 @!p1 $0x0  }
0x14: {  	s2 =	sld [smem:$0x3F9C];
	s0 =	simm.s32 @p1 $0x1  }
0x15: {  	[smem:$0x3FB9] =	sst s0;
	s0 =	simm.s32 @!p2 $0x0  }
0x16: {  	s3 =	sld [smem:$0x3FDB];
	s0 =	simm.s32 @p2 $0x1  }
0x17: {  	s4 =	simm.s32 $0x1BF5;
	[smem:$0x3FBB] =	sst s0  }
0x18: {  	s0 =	sld [smem:$0x3F9E];
	_ =	swait.ge [sflag:s4], $0x0  }
0x19: {  	s7 =	sld [smem:$0x3F9F]  }
0x1a: {  	s8 =	sadd.s32 $0xFFFFE003, lr  }
0x1b: {  	s9 =	sadd.s32 $0xFFFFFEF7, lr;
	s5 =	simm.s32 $0xFFFFFFFF;
	p2 =	slt.u32 s8, $0xFFFFF086  }
0x1c: {  	p1 =	slt.u32 s9, $0xF7A;
	s5 =	simm.s32 @!p2 $0x0  }
0x1d: {  	s5 =	simm.s32 @p1 $0x1;
	p0 =	seq.s32 s7, s2  }
0x1e: {  	s7 =	smul.u32 @!p0 $0xF7A, s2;
	p2 =	seq.s32 @!p0 s5, $0x0  }
0x1f: {  	s9 =	smul.u32 $0xF7A, s1;
	s8 =	simm.s32 @!p0 $0x1BF5;
	p2 =	por !p2, p0  }
0x20: {  	[sflag:s8] =	ssyncset.s32 @!p0 $0xFFFFF086;
	s6 =	sadd.s32 @!p0 s3, s7;
	s7 =	simm.s32 @!p0 $0x108  }
0x21: {  	s3 =	sadd.s32 s3, s9;
	s6 =	sadd.s32 @!p0 $0x88, s6;
	s7 =	simm.s32 @p2 $0x1082  }
0x22: {  	[simem:s7], [sflag:s8] =	dma.local @!p0 [hbm:s6], $0xF7A  }
0x23: {  	s9 =	sor.u32 $0xD0000000, s2;
	s6 =	simm.s32 $0x108;
	_ =	swait.ge @!p0 [sflag:s8], $0x0  }
0x24: {  	s3 =	sadd.s32 $0x88, s3;
	s6 =	simm.s32 @!p1 $0x1082;
	[sflag:s4] =	ssyncset.s32 $0xFFFFF086  }
0x25: {  	[simem:s6], [sflag:s4] =	dma.local [hbm:s3], $0xF7A  }
0x26: {  	[smem:$0x3F9F] =	sst s1;
	(tag) =	ssettag s2;
	_ =	strace s9  }
0x27: {  	s1 =	sld [smem:$0x3FAF]  }
0x28: {  	s2 =	sld [smem:$0x3FB0]  }
0x29: {  	s4 =	sld [smem:$0x3FB2]  }
0x2a: {  	p0 =	seq.s32 s5, $0x0;
	s5 =	sld [smem:$0x3FB3]  }
0x2b: {  	s6 =	sld [smem:$0x3FB4]  }
0x2c: {  	s7 =	sld [smem:$0x3FB5]  }
0x2d: {  	s3 =	simm.s32 $0x108;
	s8 =	sld [smem:$0x3FB6]  }
0x2e: {  	s3 =	simm.s32 @!p0 $0x1082;
	s9 =	sld [smem:$0x3FB7]  }
0x2f: {  	lr =	sadd.s32 s0, s3;
	s0 =	sld [smem:$0x3FAE]  }
0x30: {  	s3 =	sld [smem:$0x3FB1]  }
0x31: {  	[smem:$0x3FBA] =	sst s10  }
0x32: {  	s10 =	sld [smem:$0x3FB8];
	_ =	sdelay $0x3  }
0x33: {  	p0 =	seq.s32 s10, $0x1;
	s10 =	sld [smem:$0x3FBA];
	_ =	sdelay $0x3  }
0x34: {  	[smem:$0x3FBA] =	sst s10  }
0x35: {  	s10 =	sld [smem:$0x3FB9];
	_ =	sdelay $0x3  }
0x36: {  	p1 =	seq.s32 s10, $0x1;
	s10 =	sld [smem:$0x3FBA];
	_ =	sdelay $0x3  }
0x37: {  	[smem:$0x3FBA] =	sst s10  }
0x38: {  	s10 =	sld [smem:$0x3FBB]  }
0x39: {  	_ = 	snop;
	(pc) =	sbr.ind lr, $3  }
0x3a: {  	_ = 	snop  }
0x3b: {  	_ = 	snop  }
0x3c: {  	p2 =	seq.s32 s10, $0x1;
	s10 =	sld [smem:$0x3FBA]  }
0x3d: {  	_ =	shalt  }
0x3e: {  	_ =	shalt  }
0x3f: {  	_ =	shalt  }
0x40: {  	_ =	shalt  }
0x41: {  	_ =	shalt  }
0x42: {  	_ =	shalt  }
0x43: {  	_ =	shalt  }
0x44: {  	_ =	shalt  }
0x45: {  	_ =	shalt  }
0x46: {  	_ =	shalt  }
0x47: {  	_ =	shalt  }
0x48: {  	_ =	shalt  }
0x49: {  	_ =	shalt  }
0x4a: {  	_ =	shalt  }
0x4b: {  	_ =	shalt  }
0x4c: {  	_ =	shalt  }
0x4d: {  	_ =	shalt  }
0x4e: {  	_ =	shalt  }
0x4f: {  	_ =	shalt  }
0x50: {  	_ =	shalt  }
0x51: {  	_ =	shalt  }
0x52: {  	_ =	shalt  }
0x53: {  	_ =	shalt  }
0x54: {  	_ =	shalt  }
0x55: {  	_ =	shalt  }
0x56: {  	_ =	shalt  }
0x57: {  	_ =	shalt  }
0x58: {  	_ =	shalt  }
0x59: {  	_ =	shalt  }
0x5a: {  	_ =	shalt  }
0x5b: {  	_ =	shalt  }
0x5c: {  	_ =	shalt  }
0x5d: {  	_ =	shalt  }
0x5e: {  	_ =	shalt  }
0x5f: {  	_ =	shalt  }
0x60: {  	_ =	shalt  }
0x61: {  	_ =	shalt  }
0x62: {  	_ =	shalt  }
0x63: {  	_ =	shalt  }
0x64: {  	_ =	shalt  }
0x65: {  	_ =	shalt  }
0x66: {  	_ =	shalt  }
0x67: {  	_ =	shalt  }
0x68: {  	_ =	shalt  }
0x69: {  	_ =	shalt  }
0x6a: {  	_ =	shalt  }
0x6b: {  	_ =	shalt  }
0x6c: {  	_ =	shalt  }
0x6d: {  	_ =	shalt  }
0x6e: {  	_ =	shalt  }
0x6f: {  	_ =	shalt  }
0x70: {  	_ =	shalt  }
0x71: {  	_ =	shalt  }
0x72: {  	_ =	shalt  }
0x73: {  	_ =	shalt  }
0x74: {  	_ =	shalt  }
0x75: {  	_ =	shalt  }
0x76: {  	_ =	shalt  }
0x77: {  	_ =	shalt  }
0x78: {  	_ =	shalt  }
0x79: {  	_ =	shalt  }
0x7a: {  	_ =	shalt  }
0x7b: {  	_ =	shalt  }
0x7c: {  	_ =	shalt  }
0x7d: {  	_ =	shalt  }
0x7e: {  	_ =	shalt  }
0x7f: {  	_ =	shalt  }
0x80: {  	_ =	shalt  }
0x81: {  	_ =	shalt  }
0x82: {  	_ =	shalt  }
0x83: {  	_ =	shalt  }
0x84: {  	_ =	shalt  }
0x85: {  	_ =	shalt  }
0x86: {  	_ =	shalt  }
0x87: {  	_ =	shalt  }
.Lfunc_end0:
.L_simem_size_0:
called_computation_lowered:
.L_overlay_start_0:
0x88: {  	s2 =	sld [smem:$0x3FD9]  }
0x89: {  	s3 =	sld [smem:$0x3FFE];
	_ =	sdelay $0x1  }
0x8a: {  	s1 =	srdreg.scid  }
0x8b: {  	s0 =	sand.u32 $0x1, s1  }
0x8c: {  	s18 =	sshll.u32 s0, $0xA;
	s2 =	sadd.s32 s3, s2  }
0x8d: {  	s2 =	sadd.s32 s2, s18  }
0x8e: {  	[smem:$0x3FC6] =	sst s2  }
0x8f: {  	_ = 	snop  }
0x90: {  	s2 =	sld [smem:$0x3FC9]  }
0x91: {  	s19 =	sld [smem:$0x3FC8]  }
0x92: {  	s4 =	sld [smem:$0x3FD0];
	(tm) =	ssettm $0x1  }
0x93: {  	s5 =	sld [smem:$0x3FFB];
	_ =	sdelay $0x3  }
0x94: {  	_ =	strace s5  }
0x95: {  	s5 =	sld [smem:$0x3FFC];
	_ =	sdelay $0x3  }
0x96: {  	_ =	strace s5  }
0x97: {  	s5 =	sld [smem:$0x3FFD];
	_ =	sdelay $0x3  }
0x98: {  	_ =	strace s5  }
0x99: {  	_ =	strace $0x8FFFFFFF  }
0x9a: {  	s20 =	sld [smem:$0x3FDB];
	_ =	sdelay $0x1  }
0x9b: {  	s6 =	simm.s32 $_scs_section_size  }
0x9c: {  	s7 =	simm.s32 $_size__tile_overlayer_lowered;
	s8 =	simm.s32 $_tile_overlayer_lowered  }
0x9d: {  	s23 =	simm.s32 $0x1BFF;
	s22 =	sshll.u32 s8, $0x1;
	s5 =	sadd.s32 s6, s20  }
0x9e: {  	s9 =	simm.s32 $0x0;
	s21 =	sshll.u32 s7, $0x1;
	s7 =	sadd.s32 s22, s5  }
0x9f: {  	[timem:s9], [sflag:s23] =	dma.local [hbm:s7], s21  }
0xa0: {  	_ =	swait.ge [sflag:s23], s21  }
0xa1: {  	s6 =	ssub.s32 $0x0, s21;
	[sflag:s23] =	ssyncset.done $0x0  }
0xa2: {  	[sflag:s23] =	ssyncadd.s32 s6;
	_ =	sdelay $0x1  }
0xa3: {  	s24 =	simm.s32 $0x1B8B  }
0xa4: {  	_ =	swait.ge [sflag:s24], $0x1  }
0xa5: {  	[sflag:s24] =	ssyncset.done $0x0  }
0xa6: {  	s25 =	simm.s32 $0x1B8E;
	[sflag:s24] =	ssyncadd.s32 $0xFFFFFFFF  }
0xa7: {  	s26 =	simm.s32 $execute0_lowered;
	[smem:$0x3FD2] =	sst s25  }
0xa8: {  	s6 =	sshll.u32 s26, $0x1;
	_ =	strace $0x80000046;
	[dreg:$0x1] =	wrdreg $0xFFFFFFFF  }
0xa9: {  	s28 =	simm.s32 $_size_execute0_lowered;
	s5 =	sadd.s32 s5, s6;
	[dreg:$0x0] =	wrdreg $0x0  }
0xaa: {  	s6 =	sshll.u32 s28, $0x1;
	[dreg:$0x2] =	wrdreg s5  }
0xab: {  	[dreg:$0x3] =	wrdreg s6  }
0xac: {  	[dreg:$0x4] =	wrdreg $0xC0  }
0xad: {  	_ =	task [dreg:s9], $0x5FFFF  }
0xae: {  	[dreg:$0x1] =	wrdreg $0xFFFFFFFF  }
0xaf: {  	[dreg:$0x0] =	wrdreg $0x60  }
0xb0: {  	[dreg:$0x2] =	wrdreg s2  }
0xb1: {  	[dreg:$0x3] =	wrdreg s19  }
0xb2: {  	[dreg:$0x4] =	wrdreg s4  }
0xb3: {  	[dreg:$0x5] =	wrdreg $0x9  }
0xb4: {  	_ =	task.clear_ibuf [dreg:s9], $0x6FFFF;
	_ =	strace $0x90000046  }
0xb5: {  	s29 =	simm.s32 $0x9;
	_ =	strace $0x80000048  }
0xb6: {  	_ =	swait.ge [sflag:s29], $0x1  }
0xb7: {  	[sflag:s29] =	ssyncadd.s32 $0xFFFFFFFF  }
0xb8: {  	_ =	strace $0x90000048  }
0xb9: {  	_ =	sfence  }
0xba: {  	s30 =	sld [smem:$0x0];
	_ =	sdelay $0x2  }
0xbb: {  	s31 =	sshll.u32 s1, $0xD;
	s1 =	sshrl.u32 s1, $0x2  }
0xbc: {  	s3 =	sand.u32 $0x4000, s31;
	s1 =	sadd.s32 s1, s30  }
0xbd: {  	s0 =	sor.u32 s3, s0;
	s1 =	sshll.u32 s1, $0x11  }
0xbe: {  	s0 =	sor.u32 s1, s0  }
0xbf: {  	s0 =	sadd.s32 $0x8F2B, s0  }
0xc0: {  	[sflag:s0] =	ssyncadd.remote.s32 $0x1  }
0xc1: {  	_ =	sfence.sel $0xFFFF  }
0xc2: {  	[dreg:$0x0] =	wrdreg $0xFFFFFFFF;
	(pc) =	sbr.abs _section_cstart, $3  }
0xc3: {  	[dreg:$0x1] =	wrdreg $0xFFFFFFFF  }
0xc4: {  	_ =	task.clear_ibuf [dreg:s9], $0x2FFFF;
	_ =	strace $0x9FFFFFFF  }
0xc5: {  	(tm) =	ssettm $0x7FFFFFFF  }
tec
execute0_lowered:
.L_overlay_start_1:
0x0: {  	(tag) =	ssettag $0x1  }
0x1: {  	s1 =	rddreg [dreg:$0x0];
	s0 =	srdreg.scid  }
0x2: {  	s10 =	stileid.u32;
	s2 =	rddreg [dreg:$0x1]  }
0x3: {  	s4 =	rddreg [dreg:$0x2];
	s22 =	simm.s32 $0x980;
	s14 =	simm.s32 $0x12180  }
0x4: {  	s15 =	simm.s32 $0x12980;
	s0 =	sand.u32 $0x1, s0;
	s3 =	sshll.u32 s10, $0x1  }
0x5: {  	s16 =	simm.s32 $0x13180;
	s5 =	sor.u32 s0, s3;
	s3 =	simm.s32 $0x0  }
0x6: {  	s17 =	simm.s32 $0x13980;
	s18 =	simm.s32 $0x14180;
	[smem:$0x7FF] =	sst s3  }
0x7: {  	s19 =	simm.s32 $0x14980;
	_ =	strace $0x80000047;
	[dreg:$0x5] =	wrdreg s14  }
0x8: {  	s20 =	simm.s32 $0x15180;
	s21 =	simm.s32 $0x15980;
	[dreg:$0x6] =	wrdreg s15  }
0x9: {  	s23 =	simm.s32 $0x16180;
	s24 =	simm.s32 $0x16980;
	[dreg:$0x7] =	wrdreg s16  }
0xa: {  	s25 =	simm.s32 $0x17180;
	s26 =	simm.s32 $0x17980;
	[dreg:$0x8] =	wrdreg s17  }
0xb: {  	s28 =	simm.s32 $0x3180;
	s29 =	simm.s32 $0x3980;
	[dreg:$0x9] =	wrdreg s18  }
0xc: {  	s30 =	simm.s32 $0x4180;
	s7 =	smul.u32 $0x1140, s10;
	[dreg:$0xa] =	wrdreg s19  }
0xd: {  	s31 =	simm.s32 $0x4980;
	s12 =	smul.u32 $0x22800, s10;
	[dreg:$0xb] =	wrdreg s20  }
0xe: {  	s10 =	simm.s32 $0x8180;
	s9 =	smul.u32 $0x8A0, s0;
	[dreg:$0xc] =	wrdreg s21  }
0xf: {  	s6 =	ssub.s32 $0x2, s0;
	s0 =	smul.u32 $0x11400, s0;
	[dreg:$0xd] =	wrdreg s23  }
0x10: {  	s5 =	smul.u32 $0x8A0, s5;
	s8 =	sshrl.u32 s6, $0x1;
	[dreg:$0xe] =	wrdreg s24  }
0x11: {  	s6 =	ssub.s32 s6, s8;
	s7 =	sadd.s32 s9, s7;
	[dreg:$0xf] =	wrdreg s25  }
0x12: {  	s9 =	simm.s32 $0x180;
	[dreg:$0x10] =	wrdreg s26;
	s18 =	simm.s32 $0x1  }
0x13: {  	s23 =	simm.s32 $0x1180;
	s24 =	simm.s32 $0x1980;
	s25 =	simm.s32 $0x2180  }
0x14: {  	s26 =	simm.s32 $0x2980;
	s14 =	simm.s32 $0xA180;
	s15 =	simm.s32 $0xA980  }
0x15: {  	s16 =	simm.s32 $0xB180;
	s17 =	simm.s32 $0xB980;
	s5 =	sadd.s32 $0x780, s5  }
0x16: {  	s7 =	sshrl.u32 s7, $0x3;
	s13 =	smax.u32 s6, $0x1;
	s6 =	simm.s32 $0x7180  }
0x17: {  	s11 =	sshrl.u32 s5, $0x3;
	s5 =	sshll.u32 s5, $0x5;
	[dreg:$0x13] =	wrdreg s13  }
0x18: {  	s13 =	simm.s32 $0x9980;
	s8 =	sadd.s32 s2, s11;
	s5 =	sadd.s32 s4, s5  }
0x19: {  	s4 =	sadd.s32 s12, s4;
	s2 =	sadd.s32 s7, s2;
	[dreg:$0x11] =	wrdreg s8  }
0x1a: {  	s11 =	simm.s32 $0x8980;
	s12 =	simm.s32 $0x9180;
	[dreg:$0x12] =	wrdreg s5  }
0x1b: {  	v2 =	vlaneseq.u32;
	s7 =	simm.s32 $0x7980;
	s0 =	sadd.s32 s0, s4;
	[dreg:$0x4] =	wrdreg s2  }
0x1c: {  	vm0 =	vmmov $0xffff;
	v1 =	vshrl.u32 v2, $0x3;
	s8 =	simm.s32 $0x2;
	s4 =	simm.s32 $0x6180;
	s5 =	simm.s32 $0x6980  }
0x1d: {  	v0 =	vand.u32 $0x7, v2;
	v2 =	vor.u32 $0x8, v2;
	v1 =	vmul.u32 $0x8, v1;
	s2 =	simm.s32 $0x5180;
	[dreg:$0x14] =	wrdreg s0;
	s0 =	simm.s32 $0x0  }
.LBB2_1:
0x1e: {  	[dreg:$0x15] =	wrdreg s0  }
0x1f: {  	s19 =	rddreg [dreg:$0x14];
	s0 =	simm.s32 $0x5980;
	s20 =	simm.s32 $0x0  }
.LBB2_2:
0x20: {  	s21 =	rddreg [dreg:$0x4]  }
0x21: {  	s21 =	sadd.s32 s20, s21  }
0x22: {  	[tilespmem:s3], [sflag:$0x2] =	stream.linear.gather [hbm4b:s21+s3], $0x180, $0x38;
	[tilespmem:$0x18180] =	vst v63  }
0x23: {  	_ =	swait.ge [sflag:s8], $0x180  }
0x24: {  	[sflag:s8] =	ssyncset.done $0x0  }
0x25: {  	[sflag:s8] =	ssyncadd.s32 $0xFFFFFE80  }
0x26: {  	v3 =	vld [tilespmem:$0x0];
	_ =	sdelay $0x4  }
0x27: {  	v4 =	vshll.u32 v3, $0x1  }
0x28: {  	v3 =	vand.u32 $0x7, v3;
	v4 =	vand.u32 $0xFFFFFFF0, v4  }
0x29: {  	v3 =	vor.u32 v3, v4  }
0x2a: {  	v4 =	vperm.xlane v3, v0;
	_ =	sdelay $0x1  }
0x2b: {  	v3 =	vperm.xlane v3, v2;
	v4 =	vadd.s32 v1, v4;
	_ =	sdelay $0x1  }
0x2c: {  	v3 =	vadd.s32 v1, v3;
	_ =	sdelay $0x2  }
0x2d: {  	[tilespmem:s9], [sflag:$0x1] =	stream.indirect_vreg.gather [hbm4b:s1+s3], $0x80, v4, vm0, $0xb8;
	[tilespmem:$0x18180] =	vst v63  }
0x2e: {  	_ = 	snop  }
0x2f: {  	[tilespmem:s22], [sflag:$0x1] =	stream.indirect_vreg.gather [hbm4b:s1+s3], $0x80, v3, vm0, $0xb8;
	[tilespmem:$0x18180] =	vst v63  }
0x30: {  	v3 =	vld [tilespmem:$0x10];
	_ =	sdelay $0x4  }
0x31: {  	v41 =	vshll.u32 v3, $0x1  }
0x32: {  	v3 =	vand.u32 $0x7, v3;
	v4 =	vand.u32 $0xFFFFFFF0, v41  }
0x33: {  	v3 =	vor.u32 v3, v4  }
0x34: {  	v4 =	vperm.xlane v3, v0;
	_ =	sdelay $0x1  }
0x35: {  	v3 =	vperm.xlane v3, v2;
	v4 =	vadd.s32 v1, v4;
	_ =	sdelay $0x1  }
0x36: {  	v3 =	vadd.s32 v1, v3;
	_ =	sdelay $0x2  }
0x37: {  	[tilespmem:s23], [sflag:$0x1] =	stream.indirect_vreg.gather [hbm4b:s1+s3], $0x80, v4, vm0, $0xb8;
	[tilespmem:$0x18180] =	vst v63  }
0x38: {  	_ = 	snop  }
0x39: {  	[tilespmem:s24], [sflag:$0x1] =	stream.indirect_vreg.gather [hbm4b:s1+s3], $0x80, v3, vm0, $0xb8;
	[tilespmem:$0x18180] =	vst v63  }
0x3a: {  	v3 =	vld [tilespmem:$0x20];
	_ =	sdelay $0x4  }
0x3b: {  	v42 =	vshll.u32 v3, $0x1  }
0x3c: {  	v3 =	vand.u32 $0x7, v3;
	v4 =	vand.u32 $0xFFFFFFF0, v42  }
0x3d: {  	v3 =	vor.u32 v3, v4  }
0x3e: {  	v4 =	vperm.xlane v3, v0;
	_ =	sdelay $0x1  }
0x3f: {  	v3 =	vperm.xlane v3, v2;
	v4 =	vadd.s32 v1, v4;
	_ =	sdelay $0x1  }
0x40: {  	v3 =	vadd.s32 v1, v3;
	_ =	sdelay $0x2  }
0x41: {  	[tilespmem:s25], [sflag:$0x1] =	stream.indirect_vreg.gather [hbm4b:s1+s3], $0x80, v4, vm0, $0xb8;
	[tilespmem:$0x18180] =	vst v63  }
0x42: {  	_ = 	snop  }
0x43: {  	[tilespmem:s26], [sflag:$0x1] =	stream.indirect_vreg.gather [hbm4b:s1+s3], $0x80, v3, vm0, $0xb8;
	[tilespmem:$0x18180] =	vst v63  }
0x44: {  	v3 =	vld [tilespmem:$0x30];
	_ =	sdelay $0x4  }
0x45: {  	v43 =	vshll.u32 v3, $0x1  }
0x46: {  	v3 =	vand.u32 $0x7, v3;
	v4 =	vand.u32 $0xFFFFFFF0, v43  }
0x47: {  	v3 =	vor.u32 v3, v4  }
0x48: {  	v4 =	vperm.xlane v3, v0;
	_ =	sdelay $0x1  }
0x49: {  	v3 =	vperm.xlane v3, v2;
	v4 =	vadd.s32 v1, v4;
	_ =	sdelay $0x1  }
0x4a: {  	v3 =	vadd.s32 v1, v3;
	_ =	sdelay $0x2  }
0x4b: {  	[tilespmem:s28], [sflag:$0x1] =	stream.indirect_vreg.gather [hbm4b:s1+s3], $0x80, v4, vm0, $0xb8;
	[tilespmem:$0x18180] =	vst v63  }
0x4c: {  	_ = 	snop  }
0x4d: {  	[tilespmem:s29], [sflag:$0x1] =	stream.indirect_vreg.gather [hbm4b:s1+s3], $0x80, v3, vm0, $0xb8;
	[tilespmem:$0x18180] =	vst v63  }
0x4e: {  	v3 =	vld [tilespmem:$0x40];
	_ =	sdelay $0x4  }
0x4f: {  	v44 =	vshll.u32 v3, $0x1  }
0x50: {  	v3 =	vand.u32 $0x7, v3;
	v4 =	vand.u32 $0xFFFFFFF0, v44  }
0x51: {  	v3 =	vor.u32 v3, v4  }
0x52: {  	v4 =	vperm.xlane v3, v0;
	_ =	sdelay $0x1  }
0x53: {  	v3 =	vperm.xlane v3, v2;
	v4 =	vadd.s32 v1, v4;
	_ =	sdelay $0x1  }
0x54: {  	v3 =	vadd.s32 v1, v3;
	_ =	sdelay $0x2  }
0x55: {  	[tilespmem:s30], [sflag:$0x1] =	stream.indirect_vreg.gather [hbm4b:s1+s3], $0x80, v4, vm0, $0xb8;
	[tilespmem:$0x18180] =	vst v63  }
0x56: {  	_ = 	snop  }
0x57: {  	[tilespmem:s31], [sflag:$0x1] =	stream.indirect_vreg.gather [hbm4b:s1+s3], $0x80, v3, vm0, $0xb8;
	[tilespmem:$0x18180] =	vst v63  }
0x58: {  	v3 =	vld [tilespmem:$0x50];
	_ =	sdelay $0x4  }
0x59: {  	v45 =	vshll.u32 v3, $0x1  }
0x5a: {  	v3 =	vand.u32 $0x7, v3;
	v4 =	vand.u32 $0xFFFFFFF0, v45  }
0x5b: {  	v3 =	vor.u32 v3, v4  }
0x5c: {  	v4 =	vperm.xlane v3, v0;
	_ =	sdelay $0x1  }
0x5d: {  	v3 =	vperm.xlane v3, v2;
	v4 =	vadd.s32 v1, v4;
	_ =	sdelay $0x1  }
0x5e: {  	v3 =	vadd.s32 v1, v3;
	_ =	sdelay $0x2  }
0x5f: {  	[tilespmem:s2], [sflag:$0x1] =	stream.indirect_vreg.gather [hbm4b:s1+s3], $0x80, v4, vm0, $0xb8;
	[tilespmem:$0x18180] =	vst v63  }
0x60: {  	_ = 	snop  }
0x61: {  	[tilespmem:s0], [sflag:$0x1] =	stream.indirect_vreg.gather [hbm4b:s1+s3], $0x80, v3, vm0, $0xb8;
	[tilespmem:$0x18180] =	vst v63  }
0x62: {  	v3 =	vld [tilespmem:$0x60];
	_ =	sdelay $0x4  }
0x63: {  	v46 =	vshll.u32 v3, $0x1  }
0x64: {  	v3 =	vand.u32 $0x7, v3;
	v4 =	vand.u32 $0xFFFFFFF0, v46  }
0x65: {  	v3 =	vor.u32 v3, v4  }
0x66: {  	v4 =	vperm.xlane v3, v0;
	_ =	sdelay $0x1  }
0x67: {  	v3 =	vperm.xlane v3, v2;
	v4 =	vadd.s32 v1, v4;
	_ =	sdelay $0x1  }
0x68: {  	v3 =	vadd.s32 v1, v3;
	_ =	sdelay $0x2  }
0x69: {  	[tilespmem:s4], [sflag:$0x1] =	stream.indirect_vreg.gather [hbm4b:s1+s3], $0x80, v4, vm0, $0xb8;
	[tilespmem:$0x18180] =	vst v63  }
0x6a: {  	_ = 	snop  }
0x6b: {  	[tilespmem:s5], [sflag:$0x1] =	stream.indirect_vreg.gather [hbm4b:s1+s3], $0x80, v3, vm0, $0xb8;
	[tilespmem:$0x18180] =	vst v63  }
0x6c: {  	v3 =	vld [tilespmem:$0x70];
	_ =	sdelay $0x4  }
0x6d: {  	v47 =	vshll.u32 v3, $0x1  }
0x6e: {  	v3 =	vand.u32 $0x7, v3;
	v4 =	vand.u32 $0xFFFFFFF0, v47  }
0x6f: {  	v3 =	vor.u32 v3, v4  }
0x70: {  	v4 =	vperm.xlane v3, v0;
	_ =	sdelay $0x1  }
0x71: {  	v3 =	vperm.xlane v3, v2;
	v4 =	vadd.s32 v1, v4;
	_ =	sdelay $0x1  }
0x72: {  	v3 =	vadd.s32 v1, v3;
	_ =	sdelay $0x2  }
0x73: {  	[tilespmem:s6], [sflag:$0x1] =	stream.indirect_vreg.gather [hbm4b:s1+s3], $0x80, v4, vm0, $0xb8;
	[tilespmem:$0x18180] =	vst v63  }
0x74: {  	_ = 	snop  }
0x75: {  	[tilespmem:s7], [sflag:$0x1] =	stream.indirect_vreg.gather [hbm4b:s1+s3], $0x80, v3, vm0, $0xb8;
	[tilespmem:$0x18180] =	vst v63  }
0x76: {  	v3 =	vld [tilespmem:$0x80];
	_ =	sdelay $0x4  }
0x77: {  	v48 =	vshll.u32 v3, $0x1  }
0x78: {  	v3 =	vand.u32 $0x7, v3;
	v4 =	vand.u32 $0xFFFFFFF0, v48  }
0x79: {  	v3 =	vor.u32 v3, v4  }
0x7a: {  	v4 =	vperm.xlane v3, v0;
	_ =	sdelay $0x1  }
0x7b: {  	v3 =	vperm.xlane v3, v2;
	v4 =	vadd.s32 v1, v4;
	_ =	sdelay $0x1  }
0x7c: {  	v3 =	vadd.s32 v1, v3;
	_ =	sdelay $0x2  }
0x7d: {  	[tilespmem:s10], [sflag:$0x1] =	stream.indirect_vreg.gather [hbm4b:s1+s3], $0x80, v4, vm0, $0xb8;
	[tilespmem:$0x18180] =	vst v63  }
0x7e: {  	_ = 	snop  }
0x7f: {  	[tilespmem:s11], [sflag:$0x1] =	stream.indirect_vreg.gather [hbm4b:s1+s3], $0x80, v3, vm0, $0xb8;
	[tilespmem:$0x18180] =	vst v63  }
0x80: {  	v3 =	vld [tilespmem:$0x90];
	_ =	sdelay $0x4  }
0x81: {  	v49 =	vshll.u32 v3, $0x1  }
0x82: {  	v3 =	vand.u32 $0x7, v3;
	v4 =	vand.u32 $0xFFFFFFF0, v49  }
0x83: {  	v3 =	vor.u32 v3, v4  }
0x84: {  	v4 =	vperm.xlane v3, v0;
	_ =	sdelay $0x1  }
0x85: {  	v3 =	vperm.xlane v3, v2;
	v4 =	vadd.s32 v1, v4;
	_ =	sdelay $0x1  }
0x86: {  	v3 =	vadd.s32 v1, v3;
	_ =	sdelay $0x2  }
0x87: {  	[tilespmem:s12], [sflag:$0x1] =	stream.indirect_vreg.gather [hbm4b:s1+s3], $0x80, v4, vm0, $0xb8;
	[tilespmem:$0x18180] =	vst v63  }
0x88: {  	_ = 	snop  }
0x89: {  	[tilespmem:s13], [sflag:$0x1] =	stream.indirect_vreg.gather [hbm4b:s1+s3], $0x80, v3, vm0, $0xb8;
	[tilespmem:$0x18180] =	vst v63  }
0x8a: {  	v3 =	vld [tilespmem:$0xA0];
	_ =	sdelay $0x4  }
0x8b: {  	v50 =	vshll.u32 v3, $0x1  }
0x8c: {  	v3 =	vand.u32 $0x7, v3;
	v4 =	vand.u32 $0xFFFFFFF0, v50  }
0x8d: {  	v3 =	vor.u32 v3, v4  }
0x8e: {  	v4 =	vperm.xlane v3, v0;
	_ =	sdelay $0x1  }
0x8f: {  	v3 =	vperm.xlane v3, v2;
	v4 =	vadd.s32 v1, v4;
	_ =	sdelay $0x1  }
0x90: {  	v3 =	vadd.s32 v1, v3;
	_ =	sdelay $0x2  }
0x91: {  	[tilespmem:s14], [sflag:$0x1] =	stream.indirect_vreg.gather [hbm4b:s1+s3], $0x80, v4, vm0, $0xb8;
	[tilespmem:$0x18180] =	vst v63  }
0x92: {  	_ = 	snop  }
0x93: {  	[tilespmem:s15], [sflag:$0x1] =	stream.indirect_vreg.gather [hbm4b:s1+s3], $0x80, v3, vm0, $0xb8;
	[tilespmem:$0x18180] =	vst v63  }
0x94: {  	v3 =	vld [tilespmem:$0xB0];
	_ =	sdelay $0x4  }
0x95: {  	v51 =	vshll.u32 v3, $0x1  }
0x96: {  	v3 =	vand.u32 $0x7, v3;
	v4 =	vand.u32 $0xFFFFFFF0, v51  }
0x97: {  	v3 =	vor.u32 v3, v4  }
0x98: {  	v4 =	vperm.xlane v3, v0;
	_ =	sdelay $0x1  }
0x99: {  	v3 =	vperm.xlane v3, v2;
	v4 =	vadd.s32 v1, v4;
	_ =	sdelay $0x1  }
0x9a: {  	v3 =	vadd.s32 v1, v3;
	_ =	sdelay $0x2  }
0x9b: {  	[tilespmem:s16], [sflag:$0x1] =	stream.indirect_vreg.gather [hbm4b:s1+s3], $0x80, v4, vm0, $0xb8;
	[tilespmem:$0x18180] =	vst v63  }
0x9c: {  	_ = 	snop  }
0x9d: {  	[tilespmem:s17], [sflag:$0x1] =	stream.indirect_vreg.gather [hbm4b:s1+s3], $0x80, v3, vm0, $0xb8;
	[tilespmem:$0x18180] =	vst v63  }
0x9e: {  	v3 =	vld [tilespmem:$0xC0];
	_ =	sdelay $0x4  }
0x9f: {  	v52 =	vshll.u32 v3, $0x1  }
0xa0: {  	v3 =	vand.u32 $0x7, v3;
	v4 =	vand.u32 $0xFFFFFFF0, v52  }
0xa1: {  	v3 =	vor.u32 v3, v4  }
0xa2: {  	v4 =	vperm.xlane v3, v0;
	_ =	sdelay $0x1  }
0xa3: {  	v3 =	vperm.xlane v3, v2;
	v4 =	vadd.s32 v1, v4;
	_ =	sdelay $0x1  }
0xa4: {  	v3 =	vadd.s32 v1, v3;
	_ =	sdelay $0x1  }
0xa5: {  	s22 =	simm.s32 $0xC180  }
0xa6: {  	[tilespmem:s22], [sflag:$0x1] =	stream.indirect_vreg.gather [hbm4b:s1+s3], $0x80, v4, vm0, $0xb8;
	[tilespmem:$0x18180] =	vst v63  }
0xa7: {  	s22 =	simm.s32 $0xC980  }
0xa8: {  	[tilespmem:s22], [sflag:$0x1] =	stream.indirect_vreg.gather [hbm4b:s1+s3], $0x80, v3, vm0, $0xb8;
	[tilespmem:$0x18180] =	vst v63  }
0xa9: {  	v3 =	vld [tilespmem:$0xD0];
	_ =	sdelay $0x4  }
0xaa: {  	v53 =	vshll.u32 v3, $0x1  }
0xab: {  	v3 =	vand.u32 $0x7, v3;
	v4 =	vand.u32 $0xFFFFFFF0, v53  }
0xac: {  	v3 =	vor.u32 v3, v4  }
0xad: {  	v4 =	vperm.xlane v3, v0;
	_ =	sdelay $0x1  }
0xae: {  	v3 =	vperm.xlane v3, v2;
	v4 =	vadd.s32 v1, v4;
	_ =	sdelay $0x1  }
0xaf: {  	v3 =	vadd.s32 v1, v3;
	_ =	sdelay $0x1  }
0xb0: {  	s22 =	simm.s32 $0xD180  }
0xb1: {  	[tilespmem:s22], [sflag:$0x1] =	stream.indirect_vreg.gather [hbm4b:s1+s3], $0x80, v4, vm0, $0xb8;
	[tilespmem:$0x18180] =	vst v63  }
0xb2: {  	s22 =	simm.s32 $0xD980  }
0xb3: {  	[tilespmem:s22], [sflag:$0x1] =	stream.indirect_vreg.gather [hbm4b:s1+s3], $0x80, v3, vm0, $0xb8;
	[tilespmem:$0x18180] =	vst v63  }
0xb4: {  	v3 =	vld [tilespmem:$0xE0];
	_ =	sdelay $0x4  }
0xb5: {  	v54 =	vshll.u32 v3, $0x1  }
0xb6: {  	v3 =	vand.u32 $0x7, v3;
	v4 =	vand.u32 $0xFFFFFFF0, v54  }
0xb7: {  	v3 =	vor.u32 v3, v4  }
0xb8: {  	v4 =	vperm.xlane v3, v0;
	_ =	sdelay $0x1  }
0xb9: {  	v3 =	vperm.xlane v3, v2;
	v4 =	vadd.s32 v1, v4;
	_ =	sdelay $0x1  }
0xba: {  	v3 =	vadd.s32 v1, v3;
	_ =	sdelay $0x1  }
0xbb: {  	s22 =	simm.s32 $0xE180  }
0xbc: {  	[tilespmem:s22], [sflag:$0x1] =	stream.indirect_vreg.gather [hbm4b:s1+s3], $0x80, v4, vm0, $0xb8;
	[tilespmem:$0x18180] =	vst v63  }
0xbd: {  	s22 =	simm.s32 $0xE980  }
0xbe: {  	[tilespmem:s22], [sflag:$0x1] =	stream.indirect_vreg.gather [hbm4b:s1+s3], $0x80, v3, vm0, $0xb8;
	[tilespmem:$0x18180] =	vst v63  }
0xbf: {  	v3 =	vld [tilespmem:$0xF0];
	_ =	sdelay $0x4  }
0xc0: {  	v55 =	vshll.u32 v3, $0x1  }
0xc1: {  	v3 =	vand.u32 $0x7, v3;
	v4 =	vand.u32 $0xFFFFFFF0, v55  }
0xc2: {  	v3 =	vor.u32 v3, v4  }
0xc3: {  	v4 =	vperm.xlane v3, v0;
	_ =	sdelay $0x1  }
0xc4: {  	v3 =	vperm.xlane v3, v2;
	v4 =	vadd.s32 v1, v4;
	_ =	sdelay $0x1  }
0xc5: {  	v3 =	vadd.s32 v1, v3;
	_ =	sdelay $0x1  }
0xc6: {  	s22 =	simm.s32 $0xF180  }
0xc7: {  	[tilespmem:s22], [sflag:$0x1] =	stream.indirect_vreg.gather [hbm4b:s1+s3], $0x80, v4, vm0, $0xb8;
	[tilespmem:$0x18180] =	vst v63  }
0xc8: {  	s22 =	simm.s32 $0xF980  }
0xc9: {  	[tilespmem:s22], [sflag:$0x1] =	stream.indirect_vreg.gather [hbm4b:s1+s3], $0x80, v3, vm0, $0xb8;
	[tilespmem:$0x18180] =	vst v63  }
0xca: {  	v3 =	vld [tilespmem:$0x100];
	_ =	sdelay $0x4  }
0xcb: {  	v56 =	vshll.u32 v3, $0x1  }
0xcc: {  	v3 =	vand.u32 $0x7, v3;
	v4 =	vand.u32 $0xFFFFFFF0, v56  }
0xcd: {  	v3 =	vor.u32 v3, v4  }
0xce: {  	v4 =	vperm.xlane v3, v0;
	_ =	sdelay $0x1  }
0xcf: {  	v3 =	vperm.xlane v3, v2;
	v4 =	vadd.s32 v1, v4;
	_ =	sdelay $0x1  }
0xd0: {  	v3 =	vadd.s32 v1, v3;
	_ =	sdelay $0x1  }
0xd1: {  	s22 =	simm.s32 $0x10180  }
0xd2: {  	[tilespmem:s22], [sflag:$0x1] =	stream.indirect_vreg.gather [hbm4b:s1+s3], $0x80, v4, vm0, $0xb8;
	[tilespmem:$0x18180] =	vst v63  }
0xd3: {  	s22 =	simm.s32 $0x10980  }
0xd4: {  	[tilespmem:s22], [sflag:$0x1] =	stream.indirect_vreg.gather [hbm4b:s1+s3], $0x80, v3, vm0, $0xb8;
	[tilespmem:$0x18180] =	vst v63  }
0xd5: {  	v3 =	vld [tilespmem:$0x110];
	_ =	sdelay $0x4  }
0xd6: {  	v57 =	vshll.u32 v3, $0x1  }
0xd7: {  	v3 =	vand.u32 $0x7, v3;
	v4 =	vand.u32 $0xFFFFFFF0, v57  }
0xd8: {  	v3 =	vor.u32 v3, v4  }
0xd9: {  	v4 =	vperm.xlane v3, v0;
	_ =	sdelay $0x1  }
0xda: {  	v3 =	vperm.xlane v3, v2;
	v4 =	vadd.s32 v1, v4;
	_ =	sdelay $0x1  }
0xdb: {  	v3 =	vadd.s32 v1, v3;
	_ =	sdelay $0x1  }
0xdc: {  	s22 =	simm.s32 $0x11180  }
0xdd: {  	[tilespmem:s22], [sflag:$0x1] =	stream.indirect_vreg.gather [hbm4b:s1+s3], $0x80, v4, vm0, $0xb8;
	[tilespmem:$0x18180] =	vst v63  }
0xde: {  	s22 =	simm.s32 $0x11980  }
0xdf: {  	[tilespmem:s22], [sflag:$0x1] =	stream.indirect_vreg.gather [hbm4b:s1+s3], $0x80, v3, vm0, $0xb8;
	[tilespmem:$0x18180] =	vst v63  }
0xe0: {  	v3 =	vld [tilespmem:$0x120];
	_ =	sdelay $0x4  }
0xe1: {  	v58 =	vshll.u32 v3, $0x1  }
0xe2: {  	v3 =	vand.u32 $0x7, v3;
	v4 =	vand.u32 $0xFFFFFFF0, v58  }
0xe3: {  	v3 =	vor.u32 v3, v4  }
0xe4: {  	v4 =	vperm.xlane v3, v0;
	_ =	sdelay $0x1  }
0xe5: {  	v3 =	vperm.xlane v3, v2;
	v4 =	vadd.s32 v1, v4;
	_ =	sdelay $0x1  }
0xe6: {  	v3 =	vadd.s32 v1, v3;
	_ =	sdelay $0x1  }
0xe7: {  	s21 =	rddreg [dreg:$0x5]  }
0xe8: {  	[tilespmem:s21], [sflag:$0x1] =	stream.indirect_vreg.gather [hbm4b:s1+s3], $0x80, v4, vm0, $0xb8;
	[tilespmem:$0x18180] =	vst v63  }
0xe9: {  	s22 =	rddreg [dreg:$0x6]  }
0xea: {  	[tilespmem:s22], [sflag:$0x1] =	stream.indirect_vreg.gather [hbm4b:s1+s3], $0x80, v3, vm0, $0xb8;
	[tilespmem:$0x18180] =	vst v63  }
0xeb: {  	v3 =	vld [tilespmem:$0x130];
	_ =	sdelay $0x4  }
0xec: {  	v59 =	vshll.u32 v3, $0x1  }
0xed: {  	v3 =	vand.u32 $0x7, v3;
	v4 =	vand.u32 $0xFFFFFFF0, v59  }
0xee: {  	v3 =	vor.u32 v3, v4  }
0xef: {  	v4 =	vperm.xlane v3, v0;
	_ =	sdelay $0x1  }
0xf0: {  	v3 =	vperm.xlane v3, v2;
	v4 =	vadd.s32 v1, v4;
	_ =	sdelay $0x1  }
0xf1: {  	v3 =	vadd.s32 v1, v3;
	_ =	sdelay $0x1  }
0xf2: {  	s21 =	rddreg [dreg:$0x7]  }
0xf3: {  	[tilespmem:s21], [sflag:$0x1] =	stream.indirect_vreg.gather [hbm4b:s1+s3], $0x80, v4, vm0, $0xb8;
	[tilespmem:$0x18180] =	vst v63  }
0xf4: {  	s22 =	rddreg [dreg:$0x8]  }
0xf5: {  	[tilespmem:s22], [sflag:$0x1] =	stream.indirect_vreg.gather [hbm4b:s1+s3], $0x80, v3, vm0, $0xb8;
	[tilespmem:$0x18180] =	vst v63  }
0xf6: {  	v3 =	vld [tilespmem:$0x140];
	_ =	sdelay $0x4  }
0xf7: {  	v60 =	vshll.u32 v3, $0x1  }
0xf8: {  	v3 =	vand.u32 $0x7, v3;
	v4 =	vand.u32 $0xFFFFFFF0, v60  }
0xf9: {  	v3 =	vor.u32 v3, v4  }
0xfa: {  	v4 =	vperm.xlane v3, v0;
	_ =	sdelay $0x1  }
0xfb: {  	v3 =	vperm.xlane v3, v2;
	v4 =	vadd.s32 v1, v4;
	_ =	sdelay $0x1  }
0xfc: {  	v3 =	vadd.s32 v1, v3;
	_ =	sdelay $0x1  }
0xfd: {  	s21 =	rddreg [dreg:$0x9]  }
0xfe: {  	[tilespmem:s21], [sflag:$0x1] =	stream.indirect_vreg.gather [hbm4b:s1+s3], $0x80, v4, vm0, $0xb8;
	[tilespmem:$0x18180] =	vst v63  }
0xff: {  	s22 =	rddreg [dreg:$0xa]  }
0x100: {  	[tilespmem:s22], [sflag:$0x1] =	stream.indirect_vreg.gather [hbm4b:s1+s3], $0x80, v3, vm0, $0xb8;
	[tilespmem:$0x18180] =	vst v63  }
0x101: {  	v3 =	vld [tilespmem:$0x150];
	_ =	sdelay $0x4  }
0x102: {  	v61 =	vshll.u32 v3, $0x1  }
0x103: {  	v3 =	vand.u32 $0x7, v3;
	v4 =	vand.u32 $0xFFFFFFF0, v61  }
0x104: {  	v3 =	vor.u32 v3, v4  }
0x105: {  	v4 =	vperm.xlane v3, v0;
	_ =	sdelay $0x1  }
0x106: {  	v3 =	vperm.xlane v3, v2;
	v4 =	vadd.s32 v1, v4;
	_ =	sdelay $0x1  }
0x107: {  	v3 =	vadd.s32 v1, v3;
	_ =	sdelay $0x1  }
0x108: {  	s21 =	rddreg [dreg:$0xb]  }
0x109: {  	[tilespmem:s21], [sflag:$0x1] =	stream.indirect_vreg.gather [hbm4b:s1+s3], $0x80, v4, vm0, $0xb8;
	[tilespmem:$0x18180] =	vst v63  }
0x10a: {  	s22 =	rddreg [dreg:$0xc]  }
0x10b: {  	[tilespmem:s22], [sflag:$0x1] =	stream.indirect_vreg.gather [hbm4b:s1+s3], $0x80, v3, vm0, $0xb8;
	[tilespmem:$0x18180] =	vst v63  }
0x10c: {  	v3 =	vld [tilespmem:$0x160];
	_ =	sdelay $0x4  }
0x10d: {  	v62 =	vshll.u32 v3, $0x1  }
0x10e: {  	v3 =	vand.u32 $0x7, v3;
	v4 =	vand.u32 $0xFFFFFFF0, v62  }
0x10f: {  	v3 =	vor.u32 v3, v4  }
0x110: {  	v4 =	vperm.xlane v3, v0;
	_ =	sdelay $0x1  }
0x111: {  	v3 =	vperm.xlane v3, v2;
	v4 =	vadd.s32 v1, v4;
	_ =	sdelay $0x1  }
0x112: {  	v3 =	vadd.s32 v1, v3;
	_ =	sdelay $0x1  }
0x113: {  	s21 =	rddreg [dreg:$0xd]  }
0x114: {  	[tilespmem:s21], [sflag:$0x1] =	stream.indirect_vreg.gather [hbm4b:s1+s3], $0x80, v4, vm0, $0xb8;
	[tilespmem:$0x18180] =	vst v63  }
0x115: {  	s22 =	rddreg [dreg:$0xe]  }
0x116: {  	[tilespmem:s22], [sflag:$0x1] =	stream.indirect_vreg.gather [hbm4b:s1+s3], $0x80, v3, vm0, $0xb8;
	[tilespmem:$0x18180] =	vst v63  }
0x117: {  	v3 =	vld [tilespmem:$0x170];
	_ =	sdelay $0x4  }
0x118: {  	v63 =	vshll.u32 v3, $0x1  }
0x119: {  	v3 =	vand.u32 $0x7, v3;
	v4 =	vand.u32 $0xFFFFFFF0, v63  }
0x11a: {  	v3 =	vor.u32 v3, v4  }
0x11b: {  	v4 =	vperm.xlane v3, v0;
	_ =	sdelay $0x1  }
0x11c: {  	v3 =	vperm.xlane v3, v2;
	v4 =	vadd.s32 v1, v4;
	_ =	sdelay $0x1  }
0x11d: {  	v3 =	vadd.s32 v1, v3;
	_ =	sdelay $0x1  }
0x11e: {  	s21 =	rddreg [dreg:$0xf]  }
0x11f: {  	[tilespmem:s21], [sflag:$0x1] =	stream.indirect_vreg.gather [hbm4b:s1+s3], $0x80, v4, vm0, $0xb8;
	[tilespmem:$0x18180] =	vst v63  }
0x120: {  	s22 =	rddreg [dreg:$0x10]  }
0x121: {  	[tilespmem:s22], [sflag:$0x1] =	stream.indirect_vreg.gather [hbm4b:s1+s3], $0x80, v3, vm0, $0xb8;
	[tilespmem:$0x18180] =	vst v63  }
0x122: {  	_ =	swait.ge [sflag:s18], $0x18000  }
0x123: {  	p0 =	sne.s32 s20, $0xC0;
	[sflag:s18] =	ssyncset.done $0x0  }
.Ltmp0:
0x124: {  	[sflag:s18] =	ssyncadd.s32 $0xFFFE8000;
	(pc) =	sbr.rel @p0 .LBB2_2-.Ltmp0, $4  }
0x125: {  	[hbm4b:s19+s3] =	stream.linear.scatter [tilespmem:s9], [sflag:$0x2], $0x18000, $0x38;
	[tilespmem:$0x18180] =	vst v63  }
0x126: {  	_ =	swait.ge [sflag:s8], $0x18000  }
0x127: {  	s20 =	sadd.s32 $0x30, s20;
	[sflag:s8] =	ssyncset.done $0x0  }
0x128: {  	s22 =	simm.s32 $0x980;
	s19 =	sadd.s32 $0x3000, s19;
	[sflag:s8] =	ssyncadd.s32 $0xFFFE8000  }
0x129: {  	s19 =	rddreg [dreg:$0x11]  }
0x12a: {  	[tilespmem:s3], [sflag:$0x2] =	stream.linear.gather [hbm4b:s19+s3], $0x120, $0x38;
	[tilespmem:$0x18180] =	vst v63  }
0x12b: {  	_ =	swait.ge [sflag:s8], $0x120  }
0x12c: {  	[sflag:s8] =	ssyncset.done $0x0  }
0x12d: {  	[sflag:s8] =	ssyncadd.s32 $0xFFFFFEE0  }
0x12e: {  	v3 =	vld [tilespmem:$0x0];
	_ =	sdelay $0x4  }
0x12f: {  	v4 =	vshll.u32 v3, $0x1  }
0x130: {  	v3 =	vand.u32 $0x7, v3;
	v4 =	vand.u32 $0xFFFFFFF0, v4  }
0x131: {  	v3 =	vor.u32 v3, v4  }
0x132: {  	v4 =	vperm.xlane v3, v0;
	_ =	sdelay $0x1  }
0x133: {  	v3 =	vperm.xlane v3, v2;
	v4 =	vadd.s32 v1, v4;
	_ =	sdelay $0x1  }
0x134: {  	v3 =	vadd.s32 v1, v3;
	_ =	sdelay $0x2  }
0x135: {  	[tilespmem:s9], [sflag:$0x1] =	stream.indirect_vreg.gather [hbm4b:s1+s3], $0x80, v4, vm0, $0xb8;
	[tilespmem:$0x18180] =	vst v63  }
0x136: {  	_ = 	snop  }
0x137: {  	[tilespmem:s22], [sflag:$0x1] =	stream.indirect_vreg.gather [hbm4b:s1+s3], $0x80, v3, vm0, $0xb8;
	[tilespmem:$0x18180] =	vst v63  }
0x138: {  	v3 =	vld [tilespmem:$0x10];
	_ =	sdelay $0x4  }
0x139: {  	v47 =	vshll.u32 v3, $0x1  }
0x13a: {  	v3 =	vand.u32 $0x7, v3;
	v4 =	vand.u32 $0xFFFFFFF0, v47  }
0x13b: {  	v3 =	vor.u32 v3, v4  }
0x13c: {  	v4 =	vperm.xlane v3, v0;
	_ =	sdelay $0x1  }
0x13d: {  	v3 =	vperm.xlane v3, v2;
	v4 =	vadd.s32 v1, v4;
	_ =	sdelay $0x1  }
0x13e: {  	v3 =	vadd.s32 v1, v3;
	_ =	sdelay $0x2  }
0x13f: {  	[tilespmem:s23], [sflag:$0x1] =	stream.indirect_vreg.gather [hbm4b:s1+s3], $0x80, v4, vm0, $0xb8;
	[tilespmem:$0x18180] =	vst v63  }
0x140: {  	_ = 	snop  }
0x141: {  	[tilespmem:s24], [sflag:$0x1] =	stream.indirect_vreg.gather [hbm4b:s1+s3], $0x80, v3, vm0, $0xb8;
	[tilespmem:$0x18180] =	vst v63  }
0x142: {  	v3 =	vld [tilespmem:$0x20];
	_ =	sdelay $0x4  }
0x143: {  	v48 =	vshll.u32 v3, $0x1  }
0x144: {  	v3 =	vand.u32 $0x7, v3;
	v4 =	vand.u32 $0xFFFFFFF0, v48  }
0x145: {  	v3 =	vor.u32 v3, v4  }
0x146: {  	v4 =	vperm.xlane v3, v0;
	_ =	sdelay $0x1  }
0x147: {  	v3 =	vperm.xlane v3, v2;
	v4 =	vadd.s32 v1, v4;
	_ =	sdelay $0x1  }
0x148: {  	v3 =	vadd.s32 v1, v3;
	_ =	sdelay $0x2  }
0x149: {  	[tilespmem:s25], [sflag:$0x1] =	stream.indirect_vreg.gather [hbm4b:s1+s3], $0x80, v4, vm0, $0xb8;
	[tilespmem:$0x18180] =	vst v63  }
0x14a: {  	_ = 	snop  }
0x14b: {  	[tilespmem:s26], [sflag:$0x1] =	stream.indirect_vreg.gather [hbm4b:s1+s3], $0x80, v3, vm0, $0xb8;
	[tilespmem:$0x18180] =	vst v63  }
0x14c: {  	v3 =	vld [tilespmem:$0x30];
	_ =	sdelay $0x4  }
0x14d: {  	v49 =	vshll.u32 v3, $0x1  }
0x14e: {  	v3 =	vand.u32 $0x7, v3;
	v4 =	vand.u32 $0xFFFFFFF0, v49  }
0x14f: {  	v3 =	vor.u32 v3, v4  }
0x150: {  	v4 =	vperm.xlane v3, v0;
	_ =	sdelay $0x1  }
0x151: {  	v3 =	vperm.xlane v3, v2;
	v4 =	vadd.s32 v1, v4;
	_ =	sdelay $0x1  }
0x152: {  	v3 =	vadd.s32 v1, v3;
	_ =	sdelay $0x2  }
0x153: {  	[tilespmem:s28], [sflag:$0x1] =	stream.indirect_vreg.gather [hbm4b:s1+s3], $0x80, v4, vm0, $0xb8;
	[tilespmem:$0x18180] =	vst v63  }
0x154: {  	_ = 	snop  }
0x155: {  	[tilespmem:s29], [sflag:$0x1] =	stream.indirect_vreg.gather [hbm4b:s1+s3], $0x80, v3, vm0, $0xb8;
	[tilespmem:$0x18180] =	vst v63  }
0x156: {  	v3 =	vld [tilespmem:$0x40];
	_ =	sdelay $0x4  }
0x157: {  	v50 =	vshll.u32 v3, $0x1  }
0x158: {  	v3 =	vand.u32 $0x7, v3;
	v4 =	vand.u32 $0xFFFFFFF0, v50  }
0x159: {  	v3 =	vor.u32 v3, v4  }
0x15a: {  	v4 =	vperm.xlane v3, v0;
	_ =	sdelay $0x1  }
0x15b: {  	v3 =	vperm.xlane v3, v2;
	v4 =	vadd.s32 v1, v4;
	_ =	sdelay $0x1  }
0x15c: {  	v3 =	vadd.s32 v1, v3;
	_ =	sdelay $0x2  }
0x15d: {  	[tilespmem:s30], [sflag:$0x1] =	stream.indirect_vreg.gather [hbm4b:s1+s3], $0x80, v4, vm0, $0xb8;
	[tilespmem:$0x18180] =	vst v63  }
0x15e: {  	_ = 	snop  }
0x15f: {  	[tilespmem:s31], [sflag:$0x1] =	stream.indirect_vreg.gather [hbm4b:s1+s3], $0x80, v3, vm0, $0xb8;
	[tilespmem:$0x18180] =	vst v63  }
0x160: {  	v3 =	vld [tilespmem:$0x50];
	_ =	sdelay $0x4  }
0x161: {  	v51 =	vshll.u32 v3, $0x1  }
0x162: {  	v3 =	vand.u32 $0x7, v3;
	v4 =	vand.u32 $0xFFFFFFF0, v51  }
0x163: {  	v3 =	vor.u32 v3, v4  }
0x164: {  	v4 =	vperm.xlane v3, v0;
	_ =	sdelay $0x1  }
0x165: {  	v3 =	vperm.xlane v3, v2;
	v4 =	vadd.s32 v1, v4;
	_ =	sdelay $0x1  }
0x166: {  	v3 =	vadd.s32 v1, v3;
	_ =	sdelay $0x2  }
0x167: {  	[tilespmem:s2], [sflag:$0x1] =	stream.indirect_vreg.gather [hbm4b:s1+s3], $0x80, v4, vm0, $0xb8;
	[tilespmem:$0x18180] =	vst v63  }
0x168: {  	_ = 	snop  }
0x169: {  	[tilespmem:s0], [sflag:$0x1] =	stream.indirect_vreg.gather [hbm4b:s1+s3], $0x80, v3, vm0, $0xb8;
	[tilespmem:$0x18180] =	vst v63  }
0x16a: {  	v3 =	vld [tilespmem:$0x60];
	_ =	sdelay $0x4  }
0x16b: {  	v52 =	vshll.u32 v3, $0x1  }
0x16c: {  	v3 =	vand.u32 $0x7, v3;
	v4 =	vand.u32 $0xFFFFFFF0, v52  }
0x16d: {  	v3 =	vor.u32 v3, v4  }
0x16e: {  	v4 =	vperm.xlane v3, v0;
	_ =	sdelay $0x1  }
0x16f: {  	v3 =	vperm.xlane v3, v2;
	v4 =	vadd.s32 v1, v4;
	_ =	sdelay $0x1  }
0x170: {  	v3 =	vadd.s32 v1, v3;
	_ =	sdelay $0x2  }
0x171: {  	[tilespmem:s4], [sflag:$0x1] =	stream.indirect_vreg.gather [hbm4b:s1+s3], $0x80, v4, vm0, $0xb8;
	[tilespmem:$0x18180] =	vst v63  }
0x172: {  	_ = 	snop  }
0x173: {  	[tilespmem:s5], [sflag:$0x1] =	stream.indirect_vreg.gather [hbm4b:s1+s3], $0x80, v3, vm0, $0xb8;
	[tilespmem:$0x18180] =	vst v63  }
0x174: {  	v3 =	vld [tilespmem:$0x70];
	_ =	sdelay $0x4  }
0x175: {  	v53 =	vshll.u32 v3, $0x1  }
0x176: {  	v3 =	vand.u32 $0x7, v3;
	v4 =	vand.u32 $0xFFFFFFF0, v53  }
0x177: {  	v3 =	vor.u32 v3, v4  }
0x178: {  	v4 =	vperm.xlane v3, v0;
	_ =	sdelay $0x1  }
0x179: {  	v3 =	vperm.xlane v3, v2;
	v4 =	vadd.s32 v1, v4;
	_ =	sdelay $0x1  }
0x17a: {  	v3 =	vadd.s32 v1, v3;
	_ =	sdelay $0x2  }
0x17b: {  	[tilespmem:s6], [sflag:$0x1] =	stream.indirect_vreg.gather [hbm4b:s1+s3], $0x80, v4, vm0, $0xb8;
	[tilespmem:$0x18180] =	vst v63  }
0x17c: {  	_ = 	snop  }
0x17d: {  	[tilespmem:s7], [sflag:$0x1] =	stream.indirect_vreg.gather [hbm4b:s1+s3], $0x80, v3, vm0, $0xb8;
	[tilespmem:$0x18180] =	vst v63  }
0x17e: {  	v3 =	vld [tilespmem:$0x80];
	_ =	sdelay $0x4  }
0x17f: {  	v54 =	vshll.u32 v3, $0x1  }
0x180: {  	v3 =	vand.u32 $0x7, v3;
	v4 =	vand.u32 $0xFFFFFFF0, v54  }
0x181: {  	v3 =	vor.u32 v3, v4  }
0x182: {  	v4 =	vperm.xlane v3, v0;
	_ =	sdelay $0x1  }
0x183: {  	v3 =	vperm.xlane v3, v2;
	v4 =	vadd.s32 v1, v4;
	_ =	sdelay $0x1  }
0x184: {  	v3 =	vadd.s32 v1, v3;
	_ =	sdelay $0x2  }
0x185: {  	[tilespmem:s10], [sflag:$0x1] =	stream.indirect_vreg.gather [hbm4b:s1+s3], $0x80, v4, vm0, $0xb8;
	[tilespmem:$0x18180] =	vst v63  }
0x186: {  	_ = 	snop  }
0x187: {  	[tilespmem:s11], [sflag:$0x1] =	stream.indirect_vreg.gather [hbm4b:s1+s3], $0x80, v3, vm0, $0xb8;
	[tilespmem:$0x18180] =	vst v63  }
0x188: {  	v3 =	vld [tilespmem:$0x90];
	_ =	sdelay $0x4  }
0x189: {  	v55 =	vshll.u32 v3, $0x1  }
0x18a: {  	v3 =	vand.u32 $0x7, v3;
	v4 =	vand.u32 $0xFFFFFFF0, v55  }
0x18b: {  	v3 =	vor.u32 v3, v4  }
0x18c: {  	v4 =	vperm.xlane v3, v0;
	_ =	sdelay $0x1  }
0x18d: {  	v3 =	vperm.xlane v3, v2;
	v4 =	vadd.s32 v1, v4;
	_ =	sdelay $0x1  }
0x18e: {  	v3 =	vadd.s32 v1, v3;
	_ =	sdelay $0x2  }
0x18f: {  	[tilespmem:s12], [sflag:$0x1] =	stream.indirect_vreg.gather [hbm4b:s1+s3], $0x80, v4, vm0, $0xb8;
	[tilespmem:$0x18180] =	vst v63  }
0x190: {  	_ = 	snop  }
0x191: {  	[tilespmem:s13], [sflag:$0x1] =	stream.indirect_vreg.gather [hbm4b:s1+s3], $0x80, v3, vm0, $0xb8;
	[tilespmem:$0x18180] =	vst v63  }
0x192: {  	v3 =	vld [tilespmem:$0xA0];
	_ =	sdelay $0x4  }
0x193: {  	v56 =	vshll.u32 v3, $0x1  }
0x194: {  	v3 =	vand.u32 $0x7, v3;
	v4 =	vand.u32 $0xFFFFFFF0, v56  }
0x195: {  	v3 =	vor.u32 v3, v4  }
0x196: {  	v4 =	vperm.xlane v3, v0;
	_ =	sdelay $0x1  }
0x197: {  	v3 =	vperm.xlane v3, v2;
	v4 =	vadd.s32 v1, v4;
	_ =	sdelay $0x1  }
0x198: {  	v3 =	vadd.s32 v1, v3;
	_ =	sdelay $0x2  }
0x199: {  	[tilespmem:s14], [sflag:$0x1] =	stream.indirect_vreg.gather [hbm4b:s1+s3], $0x80, v4, vm0, $0xb8;
	[tilespmem:$0x18180] =	vst v63  }
0x19a: {  	_ = 	snop  }
0x19b: {  	[tilespmem:s15], [sflag:$0x1] =	stream.indirect_vreg.gather [hbm4b:s1+s3], $0x80, v3, vm0, $0xb8;
	[tilespmem:$0x18180] =	vst v63  }
0x19c: {  	v3 =	vld [tilespmem:$0xB0];
	_ =	sdelay $0x4  }
0x19d: {  	v57 =	vshll.u32 v3, $0x1  }
0x19e: {  	v3 =	vand.u32 $0x7, v3;
	v4 =	vand.u32 $0xFFFFFFF0, v57  }
0x19f: {  	v3 =	vor.u32 v3, v4  }
0x1a0: {  	v4 =	vperm.xlane v3, v0;
	_ =	sdelay $0x1  }
0x1a1: {  	v3 =	vperm.xlane v3, v2;
	v4 =	vadd.s32 v1, v4;
	_ =	sdelay $0x1  }
0x1a2: {  	v3 =	vadd.s32 v1, v3;
	_ =	sdelay $0x2  }
0x1a3: {  	[tilespmem:s16], [sflag:$0x1] =	stream.indirect_vreg.gather [hbm4b:s1+s3], $0x80, v4, vm0, $0xb8;
	[tilespmem:$0x18180] =	vst v63  }
0x1a4: {  	_ = 	snop  }
0x1a5: {  	[tilespmem:s17], [sflag:$0x1] =	stream.indirect_vreg.gather [hbm4b:s1+s3], $0x80, v3, vm0, $0xb8;
	[tilespmem:$0x18180] =	vst v63  }
0x1a6: {  	v3 =	vld [tilespmem:$0xC0];
	_ =	sdelay $0x4  }
0x1a7: {  	v58 =	vshll.u32 v3, $0x1  }
0x1a8: {  	v3 =	vand.u32 $0x7, v3;
	v4 =	vand.u32 $0xFFFFFFF0, v58  }
0x1a9: {  	v3 =	vor.u32 v3, v4  }
0x1aa: {  	v4 =	vperm.xlane v3, v0;
	_ =	sdelay $0x1  }
0x1ab: {  	v3 =	vperm.xlane v3, v2;
	v4 =	vadd.s32 v1, v4;
	_ =	sdelay $0x1  }
0x1ac: {  	v3 =	vadd.s32 v1, v3;
	_ =	sdelay $0x1  }
0x1ad: {  	s19 =	simm.s32 $0xC180  }
0x1ae: {  	[tilespmem:s19], [sflag:$0x1] =	stream.indirect_vreg.gather [hbm4b:s1+s3], $0x80, v4, vm0, $0xb8;
	[tilespmem:$0x18180] =	vst v63  }
0x1af: {  	s20 =	simm.s32 $0xC980  }
0x1b0: {  	[tilespmem:s20], [sflag:$0x1] =	stream.indirect_vreg.gather [hbm4b:s1+s3], $0x80, v3, vm0, $0xb8;
	[tilespmem:$0x18180] =	vst v63  }
0x1b1: {  	v3 =	vld [tilespmem:$0xD0];
	_ =	sdelay $0x4  }
0x1b2: {  	v59 =	vshll.u32 v3, $0x1  }
0x1b3: {  	v3 =	vand.u32 $0x7, v3;
	v4 =	vand.u32 $0xFFFFFFF0, v59  }
0x1b4: {  	v3 =	vor.u32 v3, v4  }
0x1b5: {  	v4 =	vperm.xlane v3, v0;
	_ =	sdelay $0x1  }
0x1b6: {  	v3 =	vperm.xlane v3, v2;
	v4 =	vadd.s32 v1, v4;
	_ =	sdelay $0x1  }
0x1b7: {  	v3 =	vadd.s32 v1, v3;
	_ =	sdelay $0x1  }
0x1b8: {  	s21 =	simm.s32 $0xD180  }
0x1b9: {  	[tilespmem:s21], [sflag:$0x1] =	stream.indirect_vreg.gather [hbm4b:s1+s3], $0x80, v4, vm0, $0xb8;
	[tilespmem:$0x18180] =	vst v63  }
0x1ba: {  	s19 =	simm.s32 $0xD980  }
0x1bb: {  	[tilespmem:s19], [sflag:$0x1] =	stream.indirect_vreg.gather [hbm4b:s1+s3], $0x80, v3, vm0, $0xb8;
	[tilespmem:$0x18180] =	vst v63  }
0x1bc: {  	v3 =	vld [tilespmem:$0xE0];
	_ =	sdelay $0x4  }
0x1bd: {  	v60 =	vshll.u32 v3, $0x1  }
0x1be: {  	v3 =	vand.u32 $0x7, v3;
	v4 =	vand.u32 $0xFFFFFFF0, v60  }
0x1bf: {  	v3 =	vor.u32 v3, v4  }
0x1c0: {  	v4 =	vperm.xlane v3, v0;
	_ =	sdelay $0x1  }
0x1c1: {  	v3 =	vperm.xlane v3, v2;
	v4 =	vadd.s32 v1, v4;
	_ =	sdelay $0x1  }
0x1c2: {  	v3 =	vadd.s32 v1, v3;
	_ =	sdelay $0x1  }
0x1c3: {  	s20 =	simm.s32 $0xE180  }
0x1c4: {  	[tilespmem:s20], [sflag:$0x1] =	stream.indirect_vreg.gather [hbm4b:s1+s3], $0x80, v4, vm0, $0xb8;
	[tilespmem:$0x18180] =	vst v63  }
0x1c5: {  	s21 =	simm.s32 $0xE980  }
0x1c6: {  	[tilespmem:s21], [sflag:$0x1] =	stream.indirect_vreg.gather [hbm4b:s1+s3], $0x80, v3, vm0, $0xb8;
	[tilespmem:$0x18180] =	vst v63  }
0x1c7: {  	v3 =	vld [tilespmem:$0xF0];
	_ =	sdelay $0x4  }
0x1c8: {  	v61 =	vshll.u32 v3, $0x1  }
0x1c9: {  	v3 =	vand.u32 $0x7, v3;
	v4 =	vand.u32 $0xFFFFFFF0, v61  }
0x1ca: {  	v3 =	vor.u32 v3, v4  }
0x1cb: {  	v4 =	vperm.xlane v3, v0;
	_ =	sdelay $0x1  }
0x1cc: {  	v3 =	vperm.xlane v3, v2;
	v4 =	vadd.s32 v1, v4;
	_ =	sdelay $0x1  }
0x1cd: {  	v3 =	vadd.s32 v1, v3;
	_ =	sdelay $0x1  }
0x1ce: {  	s19 =	simm.s32 $0xF180  }
0x1cf: {  	[tilespmem:s19], [sflag:$0x1] =	stream.indirect_vreg.gather [hbm4b:s1+s3], $0x80, v4, vm0, $0xb8;
	[tilespmem:$0x18180] =	vst v63  }
0x1d0: {  	s20 =	simm.s32 $0xF980  }
0x1d1: {  	[tilespmem:s20], [sflag:$0x1] =	stream.indirect_vreg.gather [hbm4b:s1+s3], $0x80, v3, vm0, $0xb8;
	[tilespmem:$0x18180] =	vst v63  }
0x1d2: {  	v3 =	vld [tilespmem:$0x100];
	_ =	sdelay $0x4  }
0x1d3: {  	v62 =	vshll.u32 v3, $0x1  }
0x1d4: {  	v3 =	vand.u32 $0x7, v3;
	v4 =	vand.u32 $0xFFFFFFF0, v62  }
0x1d5: {  	v3 =	vor.u32 v3, v4  }
0x1d6: {  	v4 =	vperm.xlane v3, v0;
	_ =	sdelay $0x1  }
0x1d7: {  	v3 =	vperm.xlane v3, v2;
	v4 =	vadd.s32 v1, v4;
	_ =	sdelay $0x1  }
0x1d8: {  	v3 =	vadd.s32 v1, v3;
	_ =	sdelay $0x1  }
0x1d9: {  	s21 =	simm.s32 $0x10180  }
0x1da: {  	[tilespmem:s21], [sflag:$0x1] =	stream.indirect_vreg.gather [hbm4b:s1+s3], $0x80, v4, vm0, $0xb8;
	[tilespmem:$0x18180] =	vst v63  }
0x1db: {  	s19 =	simm.s32 $0x10980  }
0x1dc: {  	[tilespmem:s19], [sflag:$0x1] =	stream.indirect_vreg.gather [hbm4b:s1+s3], $0x80, v3, vm0, $0xb8;
	[tilespmem:$0x18180] =	vst v63  }
0x1dd: {  	v3 =	vld [tilespmem:$0x110];
	_ =	sdelay $0x4  }
0x1de: {  	v63 =	vshll.u32 v3, $0x1  }
0x1df: {  	v3 =	vand.u32 $0x7, v3;
	v4 =	vand.u32 $0xFFFFFFF0, v63  }
0x1e0: {  	v3 =	vor.u32 v3, v4  }
0x1e1: {  	v4 =	vperm.xlane v3, v0;
	_ =	sdelay $0x1  }
0x1e2: {  	v3 =	vperm.xlane v3, v2;
	v4 =	vadd.s32 v1, v4;
	_ =	sdelay $0x1  }
0x1e3: {  	v3 =	vadd.s32 v1, v3;
	_ =	sdelay $0x1  }
0x1e4: {  	s20 =	simm.s32 $0x11180  }
0x1e5: {  	[tilespmem:s20], [sflag:$0x1] =	stream.indirect_vreg.gather [hbm4b:s1+s3], $0x80, v4, vm0, $0xb8;
	[tilespmem:$0x18180] =	vst v63  }
0x1e6: {  	s21 =	simm.s32 $0x11980  }
0x1e7: {  	[tilespmem:s21], [sflag:$0x1] =	stream.indirect_vreg.gather [hbm4b:s1+s3], $0x80, v3, vm0, $0xb8;
	[tilespmem:$0x18180] =	vst v63  }
0x1e8: {  	_ =	swait.ge [sflag:s18], $0x12000  }
0x1e9: {  	[sflag:s18] =	ssyncset.done $0x0  }
0x1ea: {  	s0 =	rddreg [dreg:$0x12];
	[sflag:s18] =	ssyncadd.s32 $0xFFFEE000  }
0x1eb: {  	[hbm4b:s0+s3] =	stream.linear.scatter [tilespmem:s9], [sflag:$0x2], $0x12000, $0x38;
	[tilespmem:$0x18180] =	vst v63  }
0x1ec: {  	_ =	swait.ge [sflag:s8], $0x12000  }
0x1ed: {  	s20 =	rddreg [dreg:$0x15]  }
0x1ee: {  	s21 =	rddreg [dreg:$0x13];
	s0 =	sadd.s32 $0x1, s20  }
0x1ef: {  	p0 =	sne.s32 s0, s21  }
.Ltmp1:
0x1f0: {  	_ = 	snop;
	(pc) =	sbr.rel @p0 .LBB2_1-.Ltmp1, $3  }
0x1f1: {  	_ =	sdelay $0x1  }
0x1f2: {  	[sflag:s8] =	ssyncset.done $0x0  }
0x1f3: {  	[sflag:s8] =	ssyncadd.s32 $0xFFFEE000  }
0x1f4: {  	_ =	sfence.sel $0x180000  }
0x1f5: {  	[bflag:$0x0] =	sbarrier.arrive $0xFFFF  }
0x1f6: {  	_ =	strace $0x90000047  }
0x1f7: {  	s0 =	stileid.u32;
	[bflag:$0x2] =	sbarrier.arrive $0xFFFF  }
0x1f8: {  	p0 =	sne.s32 s0, $0x0;
	s0 =	rddreg [dreg:$0x3]  }
0x1f9: {  	s0 =	sadd.s32 @!p0 $0x100000, s0  }
0x1fa: {  	[sflag:s0] =	ssyncadd.tile.s32 @!p0 $0x1;
	_ =	shalt  }
.Lfunc_end2:
_tile_overlayer_lowered:
.L_overlay_start_2:
0x1fb: {  	(tag) =	ssettag $0x2  }
0x1fc: {  	s0 =	rddreg [dreg:$0x0];
	s2 =	stileid.u32  }
0x1fd: {  	s1 =	rddreg [dreg:$0x1];
	p0 =	sne.s32 s2, $0x0  }
0x1fe: {  	s3 =	rddreg [dreg:$0x2];
	[bflag:$0x3] =	sbarrier.arrive $0xFFFF;
	s2 =	simm.s32 @!p0 $0x1C02  }
0x1ff: {  	[timem:s3], [sflag:s2] =	dma.local @!p0 [hbm:s0], s1  }
0x200: {  	s0 =	simm.s32 @!p0 $0x2  }
0x201: {  	_ =	swait.ge @!p0 [sflag:s0], s1  }
0x202: {  	s1 =	ssub.s32 @!p0 $0x0, s1;
	[sflag:s0] =	ssyncset.done @!p0 $0x0  }
0x203: {  	[sflag:s0] =	ssyncadd.s32 @!p0 s1  }
0x204: {  	[bflag:$0x3] =	sbarrier.arrive $0xFFFF  }
0x205: {  	_ =	shalt  }

</sc_bundles>
